<compile_context>
chip_gen: v7x
topology: tpu7x:2x2x1
jax: 0.10.2.dev20260603
libtpu: 0.0.44.dev20260713+nightly
codegen_flags: <defaults>
</compile_context>

<pallas_src>
import functools

import jax
import jax.numpy as jnp
from jax import lax
from jax.experimental import pallas as pl
from jax.experimental.pallas import tpu as pltpu
from jax.experimental.pallas import tpu_sc as plsc

NC = 2
NS = 16
NW = NC * NS


def _pick_cw(n_main):
    best = 128
    for t in range(1, n_main // 128 + 1):
        cw = 128 * t
        if cw > 5000:
            break
        if n_main % cw == 0:
            best = cw
    return best


def _row_minmax_sc(adjacency, n_main, row_start):
    n_rows = adjacency.shape[0]
    n_sc = n_rows - row_start
    RW = ((n_sc + NW * 16 - 1) // (NW * 16)) * 16
    NPAD = NW * RW
    GROUPS = RW // 16
    CW = _pick_cw(n_main)
    NCC = n_main // CW
    JMAX = CW // 16

    mesh = plsc.VectorSubcoreMesh(
        core_axis_name="c", subcore_axis_name="s",
        num_cores=NC, num_subcores=NS,
    )

    @functools.partial(
        pl.kernel,
        out_type=[
            jax.ShapeDtypeStruct((NPAD,), jnp.float32),
            jax.ShapeDtypeStruct((NPAD,), jnp.float32),
        ],
        mesh=mesh,
        compiler_params=pltpu.CompilerParams(needs_layout_passes=False),
        scratch_types=[
            pltpu.VMEM((8, CW), jnp.float32),
            pltpu.VMEM((8, CW), jnp.float32),
            pltpu.VMEM((16, 17), jnp.float32),
            pltpu.VMEM((16, 17), jnp.float32),
            pltpu.VMEM((16,), jnp.float32),
            pltpu.VMEM((16,), jnp.float32),
            pltpu.SemaphoreType.DMA,
            pltpu.SemaphoreType.DMA,
        ],
    )
    def rowminmax(adj_hbm, rmax_hbm, rmin_hbm, buf0, buf1, trmax, trmin,
                  stg_max, stg_min, sem0, sem1):
        wid = lax.axis_index("s") * NC + lax.axis_index("c")
        base = row_start + wid * RW
        lane = lax.iota(jnp.int32, 16)

        def do_group(g, _):
            rb = base + 16 * g

            @pl.when(rb < n_rows)
            def _():
                bufs = (buf0, buf1)
                sems = (sem0, sem1)
                Q = 2 * NCC

                def src(q):
                    return adj_hbm.at[pl.ds(rb + 8 * (q // NCC), 8),
                                      pl.ds((q % NCC) * CW, CW)]

                copies = {}
                for q in range(min(2, Q)):
                    copies[q] = pltpu.async_copy(src(q), bufs[q % 2],
                                                 sems[q % 2])

                for q in range(Q):
                    copies[q].wait()
                    nxt = q + 2
                    if nxt < Q:
                        copies[nxt] = pltpu.async_copy(
                            src(nxt), bufs[nxt % 2], sems[nxt % 2])
                    buf = bufs[q % 2]
                    rbase = 8 * (q // NCC)

                    def rstep(r, _, first=(q % NCC == 0), rbase=rbase):
                        def jstep(j, acc):
                            am, an = acc
                            v = buf[r, pl.ds(j * 16, 16)]
                            return jnp.maximum(am, v), jnp.minimum(an, v)

                        am0 = jnp.full((16,), -jnp.inf, jnp.float32)
                        an0 = jnp.full((16,), jnp.inf, jnp.float32)
                        am, an = plsc.parallel_loop(
                            0, JMAX, carry=(am0, an0), unroll=8)(jstep)
                        tr = rbase + r
                        if not first:
                            am = jnp.maximum(am, trmax[tr, pl.ds(0, 16)])
                            an = jnp.minimum(an, trmin[tr, pl.ds(0, 16)])
                        trmax[tr, pl.ds(0, 16)] = am
                        trmin[tr, pl.ds(0, 16)] = an
                        return 0

                    lax.fori_loop(0, 8, rstep, 0)

                gmax = jnp.full((16,), -jnp.inf, jnp.float32)
                gmin = jnp.full((16,), jnp.inf, jnp.float32)
                for j in range(16):
                    col = jnp.full((16,), j, jnp.int32)
                    gmax = jnp.maximum(gmax, plsc.load_gather(trmax, [lane, col]))
                    gmin = jnp.minimum(gmin, plsc.load_gather(trmin, [lane, col]))

                stg_max[...] = gmax
                stg_min[...] = gmin
                pltpu.sync_copy(stg_max, rmax_hbm.at[pl.ds(rb - row_start, 16)])
                pltpu.sync_copy(stg_min, rmin_hbm.at[pl.ds(rb - row_start, 16)])

            return 0

        lax.fori_loop(0, GROUPS, do_group, 0)

    rmax_pad, rmin_pad = rowminmax(adjacency)
    return rmax_pad[:n_sc], rmin_pad[:n_sc]


def _scan_combine_tc(adjacency, features, W, tail, n_tc, n_main):
    d = features.shape[1]
    tw = tail.shape[1]
    bm = 8
    for t in range(1, n_tc // 8 + 1):
        if t * 8 > 256:
            break
        if n_tc % (t * 8) == 0:
            bm = t * 8

    def body(a_ref, f_ref, w_ref, tail_ref, o_ref):
        blk = a_ref[...]
        t = tail_ref[...]
        rmx = jnp.maximum(jnp.max(blk, axis=1, keepdims=True),
                          jnp.max(t, axis=1, keepdims=True))
        rmn = jnp.minimum(jnp.min(blk, axis=1, keepdims=True),
                          jnp.min(t, axis=1, keepdims=True))
        out = jnp.dot(f_ref[...], w_ref[...],
                      preferred_element_type=jnp.float32)
        o_ref[...] = jnp.maximum(jnp.maximum(out * rmx, out * rmn), 0.0)

    n_rows = adjacency.shape[0]
    return pl.pallas_call(
        body,
        grid=(n_tc // bm,),
        compiler_params=pltpu.CompilerParams(
            dimension_semantics=("arbitrary",)),
        in_specs=[
            pl.BlockSpec((bm, n_main), lambda i: (i, 0)),
            pl.BlockSpec((bm, d), lambda i: (i, 0)),
            pl.BlockSpec((d, d), lambda i: (0, 0)),
            pl.BlockSpec((bm, tw), lambda i: (i, 0)),
        ],
        out_specs=pl.BlockSpec((bm, d), lambda i: (i, 0)),
        out_shape=jax.ShapeDtypeStruct((n_rows, d), jnp.float32),
    )(adjacency, features, W, tail)


def _combine_sc_rows(features, W, rmax, rmin, tail, agg, r_tc, bm):
    m, d = features.shape
    n_sc = m - r_tc
    tw = tail.shape[1]
    blk_off = r_tc // bm

    def body(f_ref, w_ref, rmm_ref, tail_ref, agg_ref, o_ref):
        del agg_ref
        out = jnp.dot(f_ref[...], w_ref[...],
                      preferred_element_type=jnp.float32)
        t = tail_ref[...]
        rmm = rmm_ref[...]
        rmx = jnp.maximum(rmm[0], jnp.max(t, axis=1, keepdims=True))
        rmn = jnp.minimum(rmm[1], jnp.min(t, axis=1, keepdims=True))
        o_ref[...] = jnp.maximum(jnp.maximum(out * rmx, out * rmn), 0.0)

    rmm = jnp.stack([rmax, rmin]).reshape(2, n_sc, 1)
    return pl.pallas_call(
        body,
        grid=(n_sc // bm,),
        compiler_params=pltpu.CompilerParams(
            dimension_semantics=("arbitrary",)),
        in_specs=[
            pl.BlockSpec((bm, d), lambda i: (i + blk_off, 0)),
            pl.BlockSpec((d, d), lambda i: (0, 0)),
            pl.BlockSpec((2, bm, 1), lambda i: (0, i, 0)),
            pl.BlockSpec((bm, tw), lambda i: (i + blk_off, 0)),
            pl.BlockSpec(memory_space=pl.ANY),
        ],
        out_specs=pl.BlockSpec((bm, d), lambda i: (i + blk_off, 0)),
        out_shape=jax.ShapeDtypeStruct((m, d), jnp.float32),
        input_output_aliases={4: 0},
    )(features, W, rmm, tail, agg)


@jax.jit
def kernel(features, adjacency, W):
    n_rows, n_cols = adjacency.shape
    n_main = (n_cols // 128) * 128
    if n_main == n_cols:
        n_main -= 128
    bm2 = 1000
    n_sc = (n_rows * 40 // 100) // bm2 * bm2
    r_tc = n_rows - n_sc
    if n_sc == 0 or r_tc % bm2 or n_sc % 16:
        bm2 = 16
        n_sc = (n_rows * 40 // 100) // 16 * 16
        r_tc = n_rows - n_sc
    rmax_sc, rmin_sc = _row_minmax_sc(adjacency, n_main, r_tc)
    tail = adjacency[:, n_main:]
    agg = _scan_combine_tc(adjacency, features, W, tail, r_tc, n_main)
    return _combine_sc_rows(features, W, rmax_sc, rmin_sc, tail, agg,
                            r_tc, bm2)

# --- scband reference (transcript-rebuilt; emitter-appended) ---
"""Pipeline reference for scband-neural-aggregation-10720238371128 (READ-ONLY COPY).

The authoritative reference and input builder live on the scoring server;
editing this copy changes nothing except your own understanding.
"""

import jax, jax.numpy as jnp
import numpy as np

N = 10000
D = 128

def setup_inputs(seed: int = 0) -> dict:
    key = jax.random.key(seed)
    k1, k2, k3 = jax.random.split(key, 3)
    features = jax.random.normal(k1, (N, D), dtype=jnp.float32)
    adjacency = jax.random.uniform(k2, (N, N), dtype=jnp.float32)
    W = jax.random.normal(k3, (D, D), dtype=jnp.float32) * 0.05
    return {"features": features, "adjacency": adjacency, "W": W}


def reference(features, adjacency, W):
    # output = features @ weights (bias=None path, since bias is falsy)
    out = jnp.matmul(features, W)
    # max_aggregator: returning[i] starts at 0 and takes
    #   returning[i] = max(returning[i], a_ij * out[i]) over all j.
    # For fixed out[i,d], max_j (a_ij * out[i,d]) equals
    #   max(rmax_i * out[i,d], rmin_i * out[i,d])
    # where rmax_i = max_j a_ij and rmin_i = min_j a_ij (linear in a_ij).
    # Combined with the initial zeros this is exactly the loop's result.
    rmax = jnp.max(adjacency, axis=1)
    rmin = jnp.min(adjacency, axis=1)
    agg = jnp.maximum(
        jnp.zeros_like(out),
        jnp.maximum(out * rmax[:, None], out * rmin[:, None]),
    )
    return agg

if __name__ == "__main__":
    import jax
    _d = setup_inputs()
    print(jax.jit(kernel)(*tuple(_d.values())))

</pallas_src>

<mosaic_0001>
#map = affine_map<(d0, d1) -> (0, 0)>
#map1 = affine_map<(d0, d1) -> (0)>
module attributes {stable_mosaic.version = 14 : i64} {
  func.func @rowminmax(%arg0: i32, %arg1: i32, %arg2: memref<10000x10000xf32, #tpu.memory_space<hbm>>, %arg3: memref<4096xf32, #tpu.memory_space<hbm>>, %arg4: memref<4096xf32, #tpu.memory_space<hbm>>, %arg5: memref<8x4992xf32, #tpu.memory_space<vmem>>, %arg6: memref<8x4992xf32, #tpu.memory_space<vmem>>, %arg7: memref<16x17xf32, #tpu.memory_space<vmem>>, %arg8: memref<16x17xf32, #tpu.memory_space<vmem>>, %arg9: memref<16xf32, #tpu.memory_space<vmem>>, %arg10: memref<16xf32, #tpu.memory_space<vmem>>, %arg11: memref<!tpu.dma_semaphore, #tpu.memory_space<semaphore_mem>>, %arg12: memref<!tpu.dma_semaphore, #tpu.memory_space<semaphore_mem>>) attributes {dimension_semantics = [#tpu.dimension_semantics<core_parallel>, #tpu.dimension_semantics<subcore_parallel>], iteration_bounds = array<i64: 2, 16>, scalar_prefetch = 0 : i64, scratch_operands = 8 : i64, tpu.core_type = #tpu.core_type<sc_vector_subcore>, window_params = [{transform_indices = #map}, {transform_indices = #map1}, {transform_indices = #map1}]} {
    %mul3A = arith.constant 2 : i32
    %mul3A_0 = arith.muli %arg1, %mul3A : i32
    %add3A = arith.addi %mul3A_0, %arg0 : i32
    %mul3A_1 = arith.constant 128 : i32
    %mul3A_2 = arith.muli %add3A, %mul3A_1 : i32
    %add3A_3 = arith.constant 6000 : i32
    %add3A_4 = arith.addi %add3A_3, %mul3A_2 : i32
    %iota3A = tpu.iota {dimensions = array<i32: 0>} : vector<16xi32>
    %scan3A = arith.constant 0 : i32
    %scan3A_5 = arith.constant 0 : i32
    %scan3A_6 = arith.constant 8 : i32
    %scan3A_7 = arith.addi %scan3A_5, %scan3A_6 : i32
    %scan3A_8 = arith.constant 1 : i32
    %scan3A_9 = scf.for %scan3A_11 = %scan3A_5 to %scan3A_7 step %scan3A_8 iter_args(%scan3A_12 = %scan3A) -> (i32)  : i32 {
      %mul3A_13 = arith.constant 16 : i32
      %mul3A_14 = arith.muli %mul3A_13, %scan3A_11 : i32
      %add3A_15 = arith.addi %add3A_4, %mul3A_14 : i32
      %lt3A = arith.constant 10000 : i32
      %lt3A_16 = arith.cmpi slt, %add3A_15, %lt3A : i32
      %convert_element_type3A = arith.extui %lt3A_16 : i1 to i32
      %cond3A = arith.constant 0 : i32
      %cond3A_17 = arith.cmpi ne, %convert_element_type3A, %cond3A : i32
      scf.if %cond3A_17 {
        %add3A_19 = arith.constant 0 : i32
        %add3A_20 = arith.addi %add3A_15, %add3A_19 : i32
        %dma_start3A = arith.constant 0 : i32
        %dma_start3A_21 = tpu.memref_slice %arg2[%add3A_20, %dma_start3A] : memref<10000x10000xf32, #tpu.memory_space<hbm>> -> memref<8x4992xf32, #tpu.memory_space<hbm>>
        %dma_start3A_22 = arith.constant 0 : i32
        %dma_start3A_23 = tpu.memref_slice %arg2[%add3A_20, %dma_start3A_22] : memref<10000x10000xf32, #tpu.memory_space<hbm>> -> memref<8x4992xf32, #tpu.memory_space<hbm>>
        tpu.enqueue_dma source(%dma_start3A_23 : memref<8x4992xf32, #tpu.memory_space<hbm>>) target(%arg5 : memref<8x4992xf32, #tpu.memory_space<vmem>>) target_semaphore(%arg11 : memref<!tpu.dma_semaphore, #tpu.memory_space<semaphore_mem>>)
        %add3A_24 = arith.constant 0 : i32
        %add3A_25 = arith.addi %add3A_15, %add3A_24 : i32
        %dma_start3A_26 = arith.constant 4992 : i32
        %dma_start3A_27 = tpu.memref_slice %arg2[%add3A_25, %dma_start3A_26] : memref<10000x10000xf32, #tpu.memory_space<hbm>> -> memref<8x4992xf32, #tpu.memory_space<hbm>>
        %dma_start3A_28 = arith.constant 4992 : i32
        %dma_start3A_29 = tpu.memref_slice %arg2[%add3A_25, %dma_start3A_28] : memref<10000x10000xf32, #tpu.memory_space<hbm>> -> memref<8x4992xf32, #tpu.memory_space<hbm>>
        tpu.enqueue_dma source(%dma_start3A_29 : memref<8x4992xf32, #tpu.memory_space<hbm>>) target(%arg6 : memref<8x4992xf32, #tpu.memory_space<vmem>>) target_semaphore(%arg12 : memref<!tpu.dma_semaphore, #tpu.memory_space<semaphore_mem>>)
        %dma_wait3A = arith.constant 0 : i32
        %dma_wait3A_30 = tpu.memref_slice %arg2[%add3A_20, %dma_wait3A] : memref<10000x10000xf32, #tpu.memory_space<hbm>> -> memref<8x4992xf32, #tpu.memory_space<hbm>>
        %dma_wait3A_31 = arith.constant 0 : i32
        %dma_wait3A_32 = tpu.memref_slice %arg2[%add3A_20, %dma_wait3A_31] : memref<10000x10000xf32, #tpu.memory_space<hbm>> -> memref<8x4992xf32, #tpu.memory_space<hbm>>
        tpu.wait_dma2 semaphore(%arg11 : memref<!tpu.dma_semaphore, #tpu.memory_space<semaphore_mem>>) src(%dma_wait3A_32 : memref<8x4992xf32, #tpu.memory_space<hbm>>) dst(%arg5 : memref<8x4992xf32, #tpu.memory_space<vmem>>)
        %add3A_33 = arith.constant 8 : i32
        %add3A_34 = arith.addi %add3A_15, %add3A_33 : i32
        %dma_start3A_35 = arith.constant 0 : i32
        %dma_start3A_36 = tpu.memref_slice %arg2[%add3A_34, %dma_start3A_35] : memref<10000x10000xf32, #tpu.memory_space<hbm>> -> memref<8x4992xf32, #tpu.memory_space<hbm>>
        %dma_start3A_37 = arith.constant 0 : i32
        %dma_start3A_38 = tpu.memref_slice %arg2[%add3A_34, %dma_start3A_37] : memref<10000x10000xf32, #tpu.memory_space<hbm>> -> memref<8x4992xf32, #tpu.memory_space<hbm>>
        tpu.enqueue_dma source(%dma_start3A_38 : memref<8x4992xf32, #tpu.memory_space<hbm>>) target(%arg5 : memref<8x4992xf32, #tpu.memory_space<vmem>>) target_semaphore(%arg11 : memref<!tpu.dma_semaphore, #tpu.memory_space<semaphore_mem>>)
        %scan3A_39 = arith.constant 0 : i32
        %scan3A_40 = arith.constant 0 : i32
        %scan3A_41 = arith.constant 8 : i32
        %scan3A_42 = arith.addi %scan3A_40, %scan3A_41 : i32
        %scan3A_43 = arith.constant 1 : i32
        %scan3A_44 = scf.for %scan3A_187 = %scan3A_40 to %scan3A_42 step %scan3A_43 iter_args(%scan3A_188 = %scan3A_39) -> (i32)  : i32 {
          %broadcast_in_dim3A_189 = arith.constant 0xFF800000 : f32
          %broadcast_in_dim3A_190 = vector.broadcast %broadcast_in_dim3A_189 : f32 to vector<16xf32>
          %broadcast_in_dim3A_191 = arith.constant 0x7F800000 : f32
          %broadcast_in_dim3A_192 = vector.broadcast %broadcast_in_dim3A_191 : f32 to vector<16xf32>
          %parallel_loop3A = arith.constant 0 : i32
          %parallel_loop3A_193 = arith.constant 312 : i32
          %parallel_loop3A_194 = arith.constant 1 : i32
          %parallel_loop3A_195:2 = scf.for %parallel_loop3A_205 = %parallel_loop3A to %parallel_loop3A_193 step %parallel_loop3A_194 iter_args(%parallel_loop3A_206 = %broadcast_in_dim3A_190, %parallel_loop3A_207 = %broadcast_in_dim3A_192) -> (vector<16xf32>, vector<16xf32>)  : i32 {
            %parallel_loop3A_208 = arith.constant 16 : i32
            %parallel_loop3A_209 = arith.muli %parallel_loop3A_205, %parallel_loop3A_208 : i32
            %parallel_loop3A_210 = arith.index_cast %scan3A_187 : i32 to index
            %parallel_loop3A_211 = arith.index_cast %parallel_loop3A_209 : i32 to index
            %parallel_loop3A_212 = tpu.vector_load %arg5[%parallel_loop3A_210, %parallel_loop3A_211] {strides = array<i32>} : memref<8x4992xf32, #tpu.memory_space<vmem>>, vector<16xf32>,
            %parallel_loop3A_213 = arith.maximumf %parallel_loop3A_206, %parallel_loop3A_212 : vector<16xf32>
            %parallel_loop3A_214 = arith.minimumf %parallel_loop3A_207, %parallel_loop3A_212 : vector<16xf32>
            scf.yield %parallel_loop3A_213, %parallel_loop3A_214 : vector<16xf32>, vector<16xf32>
          } {sc.loop_unroll_factor = 8 : i64, sc.parallel_access}
          %add3A_196 = arith.constant 0 : i32
          %add3A_197 = arith.addi %add3A_196, %scan3A_187 : i32
          %swap3A_198 = arith.index_cast %add3A_197 : i32 to index
          %swap3A_199 = arith.constant 0 : index
          %swap3A_200 = tpu.vector_load %arg7[%swap3A_198, %swap3A_199] {strides = array<i32>} : memref<16x17xf32, #tpu.memory_space<vmem>>, vector<16xf32>,
          tpu.vector_store %arg7[%swap3A_198, %swap3A_199], %parallel_loop3A_195#0 {strides = array<i32>} : memref<16x17xf32, #tpu.memory_space<vmem>>, vector<16xf32>,
          %swap3A_201 = arith.index_cast %add3A_197 : i32 to index
          %swap3A_202 = arith.constant 0 : index
          %swap3A_203 = tpu.vector_load %arg8[%swap3A_201, %swap3A_202] {strides = array<i32>} : memref<16x17xf32, #tpu.memory_space<vmem>>, vector<16xf32>,
          tpu.vector_store %arg8[%swap3A_201, %swap3A_202], %parallel_loop3A_195#1 {strides = array<i32>} : memref<16x17xf32, #tpu.memory_space<vmem>>, vector<16xf32>,
          %scan3A_204 = arith.constant 0 : i32
          scf.yield %scan3A_204 : i32
        }
        %scan3A_45 = arith.constant 8 : i32
        %dma_wait3A_46 = arith.constant 4992 : i32
        %dma_wait3A_47 = tpu.memref_slice %arg2[%add3A_25, %dma_wait3A_46] : memref<10000x10000xf32, #tpu.memory_space<hbm>> -> memref<8x4992xf32, #tpu.memory_space<hbm>>
        %dma_wait3A_48 = arith.constant 4992 : i32
        %dma_wait3A_49 = tpu.memref_slice %arg2[%add3A_25, %dma_wait3A_48] : memref<10000x10000xf32, #tpu.memory_space<hbm>> -> memref<8x4992xf32, #tpu.memory_space<hbm>>
        tpu.wait_dma2 semaphore(%arg12 : memref<!tpu.dma_semaphore, #tpu.memory_space<semaphore_mem>>) src(%dma_wait3A_49 : memref<8x4992xf32, #tpu.memory_space<hbm>>) dst(%arg6 : memref<8x4992xf32, #tpu.memory_space<vmem>>)
        %add3A_50 = arith.constant 8 : i32
        %add3A_51 = arith.addi %add3A_15, %add3A_50 : i32
        %dma_start3A_52 = arith.constant 4992 : i32
        %dma_start3A_53 = tpu.memref_slice %arg2[%add3A_51, %dma_start3A_52] : memref<10000x10000xf32, #tpu.memory_space<hbm>> -> memref<8x4992xf32, #tpu.memory_space<hbm>>
        %dma_start3A_54 = arith.constant 4992 : i32
        %dma_start3A_55 = tpu.memref_slice %arg2[%add3A_51, %dma_start3A_54] : memref<10000x10000xf32, #tpu.memory_space<hbm>> -> memref<8x4992xf32, #tpu.memory_space<hbm>>
        tpu.enqueue_dma source(%dma_start3A_55 : memref<8x4992xf32, #tpu.memory_space<hbm>>) target(%arg6 : memref<8x4992xf32, #tpu.memory_space<vmem>>) target_semaphore(%arg12 : memref<!tpu.dma_semaphore, #tpu.memory_space<semaphore_mem>>)
        %scan3A_56 = arith.constant 0 : i32
        %scan3A_57 = arith.constant 0 : i32
        %scan3A_58 = arith.constant 8 : i32
        %scan3A_59 = arith.addi %scan3A_57, %scan3A_58 : i32
        %scan3A_60 = arith.constant 1 : i32
        %scan3A_61 = scf.for %scan3A_187 = %scan3A_57 to %scan3A_59 step %scan3A_60 iter_args(%scan3A_188 = %scan3A_56) -> (i32)  : i32 {
          %broadcast_in_dim3A_189 = arith.constant 0xFF800000 : f32
          %broadcast_in_dim3A_190 = vector.broadcast %broadcast_in_dim3A_189 : f32 to vector<16xf32>
          %broadcast_in_dim3A_191 = arith.constant 0x7F800000 : f32
          %broadcast_in_dim3A_192 = vector.broadcast %broadcast_in_dim3A_191 : f32 to vector<16xf32>
          %parallel_loop3A = arith.constant 0 : i32
          %parallel_loop3A_193 = arith.constant 312 : i32
          %parallel_loop3A_194 = arith.constant 1 : i32
          %parallel_loop3A_195:2 = scf.for %parallel_loop3A_212 = %parallel_loop3A to %parallel_loop3A_193 step %parallel_loop3A_194 iter_args(%parallel_loop3A_213 = %broadcast_in_dim3A_190, %parallel_loop3A_214 = %broadcast_in_dim3A_192) -> (vector<16xf32>, vector<16xf32>)  : i32 {
            %parallel_loop3A_215 = arith.constant 16 : i32
            %parallel_loop3A_216 = arith.muli %parallel_loop3A_212, %parallel_loop3A_215 : i32
            %parallel_loop3A_217 = arith.index_cast %scan3A_187 : i32 to index
            %parallel_loop3A_218 = arith.index_cast %parallel_loop3A_216 : i32 to index
            %parallel_loop3A_219 = tpu.vector_load %arg6[%parallel_loop3A_217, %parallel_loop3A_218] {strides = array<i32>} : memref<8x4992xf32, #tpu.memory_space<vmem>>, vector<16xf32>,
            %parallel_loop3A_220 = arith.maximumf %parallel_loop3A_213, %parallel_loop3A_219 : vector<16xf32>
            %parallel_loop3A_221 = arith.minimumf %parallel_loop3A_214, %parallel_loop3A_219 : vector<16xf32>
            scf.yield %parallel_loop3A_220, %parallel_loop3A_221 : vector<16xf32>, vector<16xf32>
          } {sc.loop_unroll_factor = 8 : i64, sc.parallel_access}
          %add3A_196 = arith.constant 0 : i32
          %add3A_197 = arith.addi %add3A_196, %scan3A_187 : i32
          %get3A = arith.index_cast %add3A_197 : i32 to index
          %get3A_198 = arith.constant 0 : index
          %get3A_199 = tpu.vector_load %arg7[%get3A, %get3A_198] {strides = array<i32>} : memref<16x17xf32, #tpu.memory_space<vmem>>, vector<16xf32>,
          %max3A_200 = arith.maximumf %parallel_loop3A_195#0, %get3A_199 : vector<16xf32>
          %get3A_201 = arith.index_cast %add3A_197 : i32 to index
          %get3A_202 = arith.constant 0 : index
          %get3A_203 = tpu.vector_load %arg8[%get3A_201, %get3A_202] {strides = array<i32>} : memref<16x17xf32, #tpu.memory_space<vmem>>, vector<16xf32>,
          %min3A_204 = arith.minimumf %parallel_loop3A_195#1, %get3A_203 : vector<16xf32>
          %swap3A_205 = arith.index_cast %add3A_197 : i32 to index
          %swap3A_206 = arith.constant 0 : index
          %swap3A_207 = tpu.vector_load %arg7[%swap3A_205, %swap3A_206] {strides = array<i32>} : memref<16x17xf32, #tpu.memory_space<vmem>>, vector<16xf32>,
          tpu.vector_store %arg7[%swap3A_205, %swap3A_206], %max3A_200 {strides = array<i32>} : memref<16x17xf32, #tpu.memory_space<vmem>>, vector<16xf32>,
          %swap3A_208 = arith.index_cast %add3A_197 : i32 to index
          %swap3A_209 = arith.constant 0 : index
          %swap3A_210 = tpu.vector_load %arg8[%swap3A_208, %swap3A_209] {strides = array<i32>} : memref<16x17xf32, #tpu.memory_space<vmem>>, vector<16xf32>,
          tpu.vector_store %arg8[%swap3A_208, %swap3A_209], %min3A_204 {strides = array<i32>} : memref<16x17xf32, #tpu.memory_space<vmem>>, vector<16xf32>,
          %scan3A_211 = arith.constant 0 : i32
          scf.yield %scan3A_211 : i32
        }
        %scan3A_62 = arith.constant 8 : i32
        %dma_wait3A_63 = arith.constant 0 : i32
        %dma_wait3A_64 = tpu.memref_slice %arg2[%add3A_34, %dma_wait3A_63] : memref<10000x10000xf32, #tpu.memory_space<hbm>> -> memref<8x4992xf32, #tpu.memory_space<hbm>>
        %dma_wait3A_65 = arith.constant 0 : i32
        %dma_wait3A_66 = tpu.memref_slice %arg2[%add3A_34, %dma_wait3A_65] : memref<10000x10000xf32, #tpu.memory_space<hbm>> -> memref<8x4992xf32, #tpu.memory_space<hbm>>
        tpu.wait_dma2 semaphore(%arg11 : memref<!tpu.dma_semaphore, #tpu.memory_space<semaphore_mem>>) src(%dma_wait3A_66 : memref<8x4992xf32, #tpu.memory_space<hbm>>) dst(%arg5 : memref<8x4992xf32, #tpu.memory_space<vmem>>)
        %scan3A_67 = arith.constant 0 : i32
        %scan3A_68 = arith.constant 0 : i32
        %scan3A_69 = arith.constant 8 : i32
        %scan3A_70 = arith.addi %scan3A_68, %scan3A_69 : i32
        %scan3A_71 = arith.constant 1 : i32
        %scan3A_72 = scf.for %scan3A_187 = %scan3A_68 to %scan3A_70 step %scan3A_71 iter_args(%scan3A_188 = %scan3A_67) -> (i32)  : i32 {
          %broadcast_in_dim3A_189 = arith.constant 0xFF800000 : f32
          %broadcast_in_dim3A_190 = vector.broadcast %broadcast_in_dim3A_189 : f32 to vector<16xf32>
          %broadcast_in_dim3A_191 = arith.constant 0x7F800000 : f32
          %broadcast_in_dim3A_192 = vector.broadcast %broadcast_in_dim3A_191 : f32 to vector<16xf32>
          %parallel_loop3A = arith.constant 0 : i32
          %parallel_loop3A_193 = arith.constant 312 : i32
          %parallel_loop3A_194 = arith.constant 1 : i32
          %parallel_loop3A_195:2 = scf.for %parallel_loop3A_205 = %parallel_loop3A to %parallel_loop3A_193 step %parallel_loop3A_194 iter_args(%parallel_loop3A_206 = %broadcast_in_dim3A_190, %parallel_loop3A_207 = %broadcast_in_dim3A_192) -> (vector<16xf32>, vector<16xf32>)  : i32 {
            %parallel_loop3A_208 = arith.constant 16 : i32
            %parallel_loop3A_209 = arith.muli %parallel_loop3A_205, %parallel_loop3A_208 : i32
            %parallel_loop3A_210 = arith.index_cast %scan3A_187 : i32 to index
            %parallel_loop3A_211 = arith.index_cast %parallel_loop3A_209 : i32 to index
            %parallel_loop3A_212 = tpu.vector_load %arg5[%parallel_loop3A_210, %parallel_loop3A_211] {strides = array<i32>} : memref<8x4992xf32, #tpu.memory_space<vmem>>, vector<16xf32>,
            %parallel_loop3A_213 = arith.maximumf %parallel_loop3A_206, %parallel_loop3A_212 : vector<16xf32>
            %parallel_loop3A_214 = arith.minimumf %parallel_loop3A_207, %parallel_loop3A_212 : vector<16xf32>
            scf.yield %parallel_loop3A_213, %parallel_loop3A_214 : vector<16xf32>, vector<16xf32>
          } {sc.loop_unroll_factor = 8 : i64, sc.parallel_access}
          %add3A_196 = arith.constant 8 : i32
          %add3A_197 = arith.addi %add3A_196, %scan3A_187 : i32
          %swap3A_198 = arith.index_cast %add3A_197 : i32 to index
          %swap3A_199 = arith.constant 0 : index
          %swap3A_200 = tpu.vector_load %arg7[%swap3A_198, %swap3A_199] {strides = array<i32>} : memref<16x17xf32, #tpu.memory_space<vmem>>, vector<16xf32>,
          tpu.vector_store %arg7[%swap3A_198, %swap3A_199], %parallel_loop3A_195#0 {strides = array<i32>} : memref<16x17xf32, #tpu.memory_space<vmem>>, vector<16xf32>,
          %swap3A_201 = arith.index_cast %add3A_197 : i32 to index
          %swap3A_202 = arith.constant 0 : index
          %swap3A_203 = tpu.vector_load %arg8[%swap3A_201, %swap3A_202] {strides = array<i32>} : memref<16x17xf32, #tpu.memory_space<vmem>>, vector<16xf32>,
          tpu.vector_store %arg8[%swap3A_201, %swap3A_202], %parallel_loop3A_195#1 {strides = array<i32>} : memref<16x17xf32, #tpu.memory_space<vmem>>, vector<16xf32>,
          %scan3A_204 = arith.constant 0 : i32
          scf.yield %scan3A_204 : i32
        }
        %scan3A_73 = arith.constant 8 : i32
        %dma_wait3A_74 = arith.constant 4992 : i32
        %dma_wait3A_75 = tpu.memref_slice %arg2[%add3A_51, %dma_wait3A_74] : memref<10000x10000xf32, #tpu.memory_space<hbm>> -> memref<8x4992xf32, #tpu.memory_space<hbm>>
        %dma_wait3A_76 = arith.constant 4992 : i32
        %dma_wait3A_77 = tpu.memref_slice %arg2[%add3A_51, %dma_wait3A_76] : memref<10000x10000xf32, #tpu.memory_space<hbm>> -> memref<8x4992xf32, #tpu.memory_space<hbm>>
        tpu.wait_dma2 semaphore(%arg12 : memref<!tpu.dma_semaphore, #tpu.memory_space<semaphore_mem>>) src(%dma_wait3A_77 : memref<8x4992xf32, #tpu.memory_space<hbm>>) dst(%arg6 : memref<8x4992xf32, #tpu.memory_space<vmem>>)
        %scan3A_78 = arith.constant 0 : i32
        %scan3A_79 = arith.constant 0 : i32
        %scan3A_80 = arith.constant 8 : i32
        %scan3A_81 = arith.addi %scan3A_79, %scan3A_80 : i32
        %scan3A_82 = arith.constant 1 : i32
        %scan3A_83 = scf.for %scan3A_187 = %scan3A_79 to %scan3A_81 step %scan3A_82 iter_args(%scan3A_188 = %scan3A_78) -> (i32)  : i32 {
          %broadcast_in_dim3A_189 = arith.constant 0xFF800000 : f32
          %broadcast_in_dim3A_190 = vector.broadcast %broadcast_in_dim3A_189 : f32 to vector<16xf32>
          %broadcast_in_dim3A_191 = arith.constant 0x7F800000 : f32
          %broadcast_in_dim3A_192 = vector.broadcast %broadcast_in_dim3A_191 : f32 to vector<16xf32>
          %parallel_loop3A = arith.constant 0 : i32
          %parallel_loop3A_193 = arith.constant 312 : i32
          %parallel_loop3A_194 = arith.constant 1 : i32
          %parallel_loop3A_195:2 = scf.for %parallel_loop3A_212 = %parallel_loop3A to %parallel_loop3A_193 step %parallel_loop3A_194 iter_args(%parallel_loop3A_213 = %broadcast_in_dim3A_190, %parallel_loop3A_214 = %broadcast_in_dim3A_192) -> (vector<16xf32>, vector<16xf32>)  : i32 {
            %parallel_loop3A_215 = arith.constant 16 : i32
            %parallel_loop3A_216 = arith.muli %parallel_loop3A_212, %parallel_loop3A_215 : i32
            %parallel_loop3A_217 = arith.index_cast %scan3A_187 : i32 to index
            %parallel_loop3A_218 = arith.index_cast %parallel_loop3A_216 : i32 to index
            %parallel_loop3A_219 = tpu.vector_load %arg6[%parallel_loop3A_217, %parallel_loop3A_218] {strides = array<i32>} : memref<8x4992xf32, #tpu.memory_space<vmem>>, vector<16xf32>,
            %parallel_loop3A_220 = arith.maximumf %parallel_loop3A_213, %parallel_loop3A_219 : vector<16xf32>
            %parallel_loop3A_221 = arith.minimumf %parallel_loop3A_214, %parallel_loop3A_219 : vector<16xf32>
            scf.yield %parallel_loop3A_220, %parallel_loop3A_221 : vector<16xf32>, vector<16xf32>
          } {sc.loop_unroll_factor = 8 : i64, sc.parallel_access}
          %add3A_196 = arith.constant 8 : i32
          %add3A_197 = arith.addi %add3A_196, %scan3A_187 : i32
          %get3A = arith.index_cast %add3A_197 : i32 to index
          %get3A_198 = arith.constant 0 : index
          %get3A_199 = tpu.vector_load %arg7[%get3A, %get3A_198] {strides = array<i32>} : memref<16x17xf32, #tpu.memory_space<vmem>>, vector<16xf32>,
          %max3A_200 = arith.maximumf %parallel_loop3A_195#0, %get3A_199 : vector<16xf32>
          %get3A_201 = arith.index_cast %add3A_197 : i32 to index
          %get3A_202 = arith.constant 0 : index
          %get3A_203 = tpu.vector_load %arg8[%get3A_201, %get3A_202] {strides = array<i32>} : memref<16x17xf32, #tpu.memory_space<vmem>>, vector<16xf32>,
          %min3A_204 = arith.minimumf %parallel_loop3A_195#1, %get3A_203 : vector<16xf32>
          %swap3A_205 = arith.index_cast %add3A_197 : i32 to index
          %swap3A_206 = arith.constant 0 : index
          %swap3A_207 = tpu.vector_load %arg7[%swap3A_205, %swap3A_206] {strides = array<i32>} : memref<16x17xf32, #tpu.memory_space<vmem>>, vector<16xf32>,
          tpu.vector_store %arg7[%swap3A_205, %swap3A_206], %max3A_200 {strides = array<i32>} : memref<16x17xf32, #tpu.memory_space<vmem>>, vector<16xf32>,
          %swap3A_208 = arith.index_cast %add3A_197 : i32 to index
          %swap3A_209 = arith.constant 0 : index
          %swap3A_210 = tpu.vector_load %arg8[%swap3A_208, %swap3A_209] {strides = array<i32>} : memref<16x17xf32, #tpu.memory_space<vmem>>, vector<16xf32>,
          tpu.vector_store %arg8[%swap3A_208, %swap3A_209], %min3A_204 {strides = array<i32>} : memref<16x17xf32, #tpu.memory_space<vmem>>, vector<16xf32>,
          %scan3A_211 = arith.constant 0 : i32
          scf.yield %scan3A_211 : i32
        }
        %scan3A_84 = arith.constant 8 : i32
        %broadcast_in_dim3A = arith.constant 0xFF800000 : f32
        %broadcast_in_dim3A_85 = vector.broadcast %broadcast_in_dim3A : f32 to vector<16xf32>
        %broadcast_in_dim3A_86 = arith.constant 0x7F800000 : f32
        %broadcast_in_dim3A_87 = vector.broadcast %broadcast_in_dim3A_86 : f32 to vector<16xf32>
        %broadcast_in_dim3A_88 = arith.constant 0 : i32
        %broadcast_in_dim3A_89 = vector.broadcast %broadcast_in_dim3A_88 : i32 to vector<16xi32>
        %gather3A = tpu.vector_load_idx %arg7[%iota3A, %broadcast_in_dim3A_89] : memref<16x17xf32, #tpu.memory_space<vmem>>[vector<16xi32>, vector<16xi32>], vector<16xf32>,
        %max3A = arith.maximumf %broadcast_in_dim3A_85, %gather3A : vector<16xf32>
        %gather3A_90 = tpu.vector_load_idx %arg8[%iota3A, %broadcast_in_dim3A_89] : memref<16x17xf32, #tpu.memory_space<vmem>>[vector<16xi32>, vector<16xi32>], vector<16xf32>,
        %min3A = arith.minimumf %broadcast_in_dim3A_87, %gather3A_90 : vector<16xf32>
        %broadcast_in_dim3A_91 = arith.constant 1 : i32
        %broadcast_in_dim3A_92 = vector.broadcast %broadcast_in_dim3A_91 : i32 to vector<16xi32>
        %gather3A_93 = tpu.vector_load_idx %arg7[%iota3A, %broadcast_in_dim3A_92] : memref<16x17xf32, #tpu.memory_space<vmem>>[vector<16xi32>, vector<16xi32>], vector<16xf32>,
        %max3A_94 = arith.maximumf %max3A, %gather3A_93 : vector<16xf32>
        %gather3A_95 = tpu.vector_load_idx %arg8[%iota3A, %broadcast_in_dim3A_92] : memref<16x17xf32, #tpu.memory_space<vmem>>[vector<16xi32>, vector<16xi32>], vector<16xf32>,
        %min3A_96 = arith.minimumf %min3A, %gather3A_95 : vector<16xf32>
        %broadcast_in_dim3A_97 = arith.constant 2 : i32
        %broadcast_in_dim3A_98 = vector.broadcast %broadcast_in_dim3A_97 : i32 to vector<16xi32>
        %gather3A_99 = tpu.vector_load_idx %arg7[%iota3A, %broadcast_in_dim3A_98] : memref<16x17xf32, #tpu.memory_space<vmem>>[vector<16xi32>, vector<16xi32>], vector<16xf32>,
        %max3A_100 = arith.maximumf %max3A_94, %gather3A_99 : vector<16xf32>
        %gather3A_101 = tpu.vector_load_idx %arg8[%iota3A, %broadcast_in_dim3A_98] : memref<16x17xf32, #tpu.memory_space<vmem>>[vector<16xi32>, vector<16xi32>], vector<16xf32>,
        %min3A_102 = arith.minimumf %min3A_96, %gather3A_101 : vector<16xf32>
        %broadcast_in_dim3A_103 = arith.constant 3 : i32
        %broadcast_in_dim3A_104 = vector.broadcast %broadcast_in_dim3A_103 : i32 to vector<16xi32>
        %gather3A_105 = tpu.vector_load_idx %arg7[%iota3A, %broadcast_in_dim3A_104] : memref<16x17xf32, #tpu.memory_space<vmem>>[vector<16xi32>, vector<16xi32>], vector<16xf32>,
        %max3A_106 = arith.maximumf %max3A_100, %gather3A_105 : vector<16xf32>
        %gather3A_107 = tpu.vector_load_idx %arg8[%iota3A, %broadcast_in_dim3A_104] : memref<16x17xf32, #tpu.memory_space<vmem>>[vector<16xi32>, vector<16xi32>], vector<16xf32>,
        %min3A_108 = arith.minimumf %min3A_102, %gather3A_107 : vector<16xf32>
        %broadcast_in_dim3A_109 = arith.constant 4 : i32
        %broadcast_in_dim3A_110 = vector.broadcast %broadcast_in_dim3A_109 : i32 to vector<16xi32>
        %gather3A_111 = tpu.vector_load_idx %arg7[%iota3A, %broadcast_in_dim3A_110] : memref<16x17xf32, #tpu.memory_space<vmem>>[vector<16xi32>, vector<16xi32>], vector<16xf32>,
        %max3A_112 = arith.maximumf %max3A_106, %gather3A_111 : vector<16xf32>
        %gather3A_113 = tpu.vector_load_idx %arg8[%iota3A, %broadcast_in_dim3A_110] : memref<16x17xf32, #tpu.memory_space<vmem>>[vector<16xi32>, vector<16xi32>], vector<16xf32>,
        %min3A_114 = arith.minimumf %min3A_108, %gather3A_113 : vector<16xf32>
        %broadcast_in_dim3A_115 = arith.constant 5 : i32
        %broadcast_in_dim3A_116 = vector.broadcast %broadcast_in_dim3A_115 : i32 to vector<16xi32>
        %gather3A_117 = tpu.vector_load_idx %arg7[%iota3A, %broadcast_in_dim3A_116] : memref<16x17xf32, #tpu.memory_space<vmem>>[vector<16xi32>, vector<16xi32>], vector<16xf32>,
        %max3A_118 = arith.maximumf %max3A_112, %gather3A_117 : vector<16xf32>
        %gather3A_119 = tpu.vector_load_idx %arg8[%iota3A, %broadcast_in_dim3A_116] : memref<16x17xf32, #tpu.memory_space<vmem>>[vector<16xi32>, vector<16xi32>], vector<16xf32>,
        %min3A_120 = arith.minimumf %min3A_114, %gather3A_119 : vector<16xf32>
        %broadcast_in_dim3A_121 = arith.constant 6 : i32
        %broadcast_in_dim3A_122 = vector.broadcast %broadcast_in_dim3A_121 : i32 to vector<16xi32>
        %gather3A_123 = tpu.vector_load_idx %arg7[%iota3A, %broadcast_in_dim3A_122] : memref<16x17xf32, #tpu.memory_space<vmem>>[vector<16xi32>, vector<16xi32>], vector<16xf32>,
        %max3A_124 = arith.maximumf %max3A_118, %gather3A_123 : vector<16xf32>
        %gather3A_125 = tpu.vector_load_idx %arg8[%iota3A, %broadcast_in_dim3A_122] : memref<16x17xf32, #tpu.memory_space<vmem>>[vector<16xi32>, vector<16xi32>], vector<16xf32>,
        %min3A_126 = arith.minimumf %min3A_120, %gather3A_125 : vector<16xf32>
        %broadcast_in_dim3A_127 = arith.constant 7 : i32
        %broadcast_in_dim3A_128 = vector.broadcast %broadcast_in_dim3A_127 : i32 to vector<16xi32>
        %gather3A_129 = tpu.vector_load_idx %arg7[%iota3A, %broadcast_in_dim3A_128] : memref<16x17xf32, #tpu.memory_space<vmem>>[vector<16xi32>, vector<16xi32>], vector<16xf32>,
        %max3A_130 = arith.maximumf %max3A_124, %gather3A_129 : vector<16xf32>
        %gather3A_131 = tpu.vector_load_idx %arg8[%iota3A, %broadcast_in_dim3A_128] : memref<16x17xf32, #tpu.memory_space<vmem>>[vector<16xi32>, vector<16xi32>], vector<16xf32>,
        %min3A_132 = arith.minimumf %min3A_126, %gather3A_131 : vector<16xf32>
        %broadcast_in_dim3A_133 = arith.constant 8 : i32
        %broadcast_in_dim3A_134 = vector.broadcast %broadcast_in_dim3A_133 : i32 to vector<16xi32>
        %gather3A_135 = tpu.vector_load_idx %arg7[%iota3A, %broadcast_in_dim3A_134] : memref<16x17xf32, #tpu.memory_space<vmem>>[vector<16xi32>, vector<16xi32>], vector<16xf32>,
        %max3A_136 = arith.maximumf %max3A_130, %gather3A_135 : vector<16xf32>
        %gather3A_137 = tpu.vector_load_idx %arg8[%iota3A, %broadcast_in_dim3A_134] : memref<16x17xf32, #tpu.memory_space<vmem>>[vector<16xi32>, vector<16xi32>], vector<16xf32>,
        %min3A_138 = arith.minimumf %min3A_132, %gather3A_137 : vector<16xf32>
        %broadcast_in_dim3A_139 = arith.constant 9 : i32
        %broadcast_in_dim3A_140 = vector.broadcast %broadcast_in_dim3A_139 : i32 to vector<16xi32>
        %gather3A_141 = tpu.vector_load_idx %arg7[%iota3A, %broadcast_in_dim3A_140] : memref<16x17xf32, #tpu.memory_space<vmem>>[vector<16xi32>, vector<16xi32>], vector<16xf32>,
        %max3A_142 = arith.maximumf %max3A_136, %gather3A_141 : vector<16xf32>
        %gather3A_143 = tpu.vector_load_idx %arg8[%iota3A, %broadcast_in_dim3A_140] : memref<16x17xf32, #tpu.memory_space<vmem>>[vector<16xi32>, vector<16xi32>], vector<16xf32>,
        %min3A_144 = arith.minimumf %min3A_138, %gather3A_143 : vector<16xf32>
        %broadcast_in_dim3A_145 = arith.constant 10 : i32
        %broadcast_in_dim3A_146 = vector.broadcast %broadcast_in_dim3A_145 : i32 to vector<16xi32>
        %gather3A_147 = tpu.vector_load_idx %arg7[%iota3A, %broadcast_in_dim3A_146] : memref<16x17xf32, #tpu.memory_space<vmem>>[vector<16xi32>, vector<16xi32>], vector<16xf32>,
        %max3A_148 = arith.maximumf %max3A_142, %gather3A_147 : vector<16xf32>
        %gather3A_149 = tpu.vector_load_idx %arg8[%iota3A, %broadcast_in_dim3A_146] : memref<16x17xf32, #tpu.memory_space<vmem>>[vector<16xi32>, vector<16xi32>], vector<16xf32>,
        %min3A_150 = arith.minimumf %min3A_144, %gather3A_149 : vector<16xf32>
        %broadcast_in_dim3A_151 = arith.constant 11 : i32
        %broadcast_in_dim3A_152 = vector.broadcast %broadcast_in_dim3A_151 : i32 to vector<16xi32>
        %gather3A_153 = tpu.vector_load_idx %arg7[%iota3A, %broadcast_in_dim3A_152] : memref<16x17xf32, #tpu.memory_space<vmem>>[vector<16xi32>, vector<16xi32>], vector<16xf32>,
        %max3A_154 = arith.maximumf %max3A_148, %gather3A_153 : vector<16xf32>
        %gather3A_155 = tpu.vector_load_idx %arg8[%iota3A, %broadcast_in_dim3A_152] : memref<16x17xf32, #tpu.memory_space<vmem>>[vector<16xi32>, vector<16xi32>], vector<16xf32>,
        %min3A_156 = arith.minimumf %min3A_150, %gather3A_155 : vector<16xf32>
        %broadcast_in_dim3A_157 = arith.constant 12 : i32
        %broadcast_in_dim3A_158 = vector.broadcast %broadcast_in_dim3A_157 : i32 to vector<16xi32>
        %gather3A_159 = tpu.vector_load_idx %arg7[%iota3A, %broadcast_in_dim3A_158] : memref<16x17xf32, #tpu.memory_space<vmem>>[vector<16xi32>, vector<16xi32>], vector<16xf32>,
        %max3A_160 = arith.maximumf %max3A_154, %gather3A_159 : vector<16xf32>
        %gather3A_161 = tpu.vector_load_idx %arg8[%iota3A, %broadcast_in_dim3A_158] : memref<16x17xf32, #tpu.memory_space<vmem>>[vector<16xi32>, vector<16xi32>], vector<16xf32>,
        %min3A_162 = arith.minimumf %min3A_156, %gather3A_161 : vector<16xf32>
        %broadcast_in_dim3A_163 = arith.constant 13 : i32
        %broadcast_in_dim3A_164 = vector.broadcast %broadcast_in_dim3A_163 : i32 to vector<16xi32>
        %gather3A_165 = tpu.vector_load_idx %arg7[%iota3A, %broadcast_in_dim3A_164] : memref<16x17xf32, #tpu.memory_space<vmem>>[vector<16xi32>, vector<16xi32>], vector<16xf32>,
        %max3A_166 = arith.maximumf %max3A_160, %gather3A_165 : vector<16xf32>
        %gather3A_167 = tpu.vector_load_idx %arg8[%iota3A, %broadcast_in_dim3A_164] : memref<16x17xf32, #tpu.memory_space<vmem>>[vector<16xi32>, vector<16xi32>], vector<16xf32>,
        %min3A_168 = arith.minimumf %min3A_162, %gather3A_167 : vector<16xf32>
        %broadcast_in_dim3A_169 = arith.constant 14 : i32
        %broadcast_in_dim3A_170 = vector.broadcast %broadcast_in_dim3A_169 : i32 to vector<16xi32>
        %gather3A_171 = tpu.vector_load_idx %arg7[%iota3A, %broadcast_in_dim3A_170] : memref<16x17xf32, #tpu.memory_space<vmem>>[vector<16xi32>, vector<16xi32>], vector<16xf32>,
        %max3A_172 = arith.maximumf %max3A_166, %gather3A_171 : vector<16xf32>
        %gather3A_173 = tpu.vector_load_idx %arg8[%iota3A, %broadcast_in_dim3A_170] : memref<16x17xf32, #tpu.memory_space<vmem>>[vector<16xi32>, vector<16xi32>], vector<16xf32>,
        %min3A_174 = arith.minimumf %min3A_168, %gather3A_173 : vector<16xf32>
        %broadcast_in_dim3A_175 = arith.constant 15 : i32
        %broadcast_in_dim3A_176 = vector.broadcast %broadcast_in_dim3A_175 : i32 to vector<16xi32>
        %gather3A_177 = tpu.vector_load_idx %arg7[%iota3A, %broadcast_in_dim3A_176] : memref<16x17xf32, #tpu.memory_space<vmem>>[vector<16xi32>, vector<16xi32>], vector<16xf32>,
        %max3A_178 = arith.maximumf %max3A_172, %gather3A_177 : vector<16xf32>
        %gather3A_179 = tpu.vector_load_idx %arg8[%iota3A, %broadcast_in_dim3A_176] : memref<16x17xf32, #tpu.memory_space<vmem>>[vector<16xi32>, vector<16xi32>], vector<16xf32>,
        %min3A_180 = arith.minimumf %min3A_174, %gather3A_179 : vector<16xf32>
        %swap3A = arith.constant 0 : index
        %swap3A_181 = tpu.vector_load %arg9[%swap3A] {strides = array<i32>} : memref<16xf32, #tpu.memory_space<vmem>>, vector<16xf32>,
        tpu.vector_store %arg9[%swap3A], %max3A_178 {strides = array<i32>} : memref<16xf32, #tpu.memory_space<vmem>>, vector<16xf32>,
        %swap3A_182 = arith.constant 0 : index
        %swap3A_183 = tpu.vector_load %arg10[%swap3A_182] {strides = array<i32>} : memref<16xf32, #tpu.memory_space<vmem>>, vector<16xf32>,
        tpu.vector_store %arg10[%swap3A_182], %min3A_180 {strides = array<i32>} : memref<16xf32, #tpu.memory_space<vmem>>, vector<16xf32>,
        %sub3A = arith.constant 6000 : i32
        %sub3A_184 = arith.subi %add3A_15, %sub3A : i32
        "tpu.region"() ({
          %run_scoped3A = tpu.sem_alloc : memref<!tpu.dma_semaphore, #tpu.memory_space<semaphore_mem>>
          %dma_start3A_187 = tpu.memref_slice %arg3[%sub3A_184] : memref<4096xf32, #tpu.memory_space<hbm>> -> memref<16xf32, #tpu.memory_space<hbm>>
          %dma_start3A_188 = tpu.memref_slice %arg3[%sub3A_184] : memref<4096xf32, #tpu.memory_space<hbm>> -> memref<16xf32, #tpu.memory_space<hbm>>
          tpu.enqueue_dma source(%arg9 : memref<16xf32, #tpu.memory_space<vmem>>) target(%dma_start3A_188 : memref<16xf32, #tpu.memory_space<hbm>>) target_semaphore(%run_scoped3A : memref<!tpu.dma_semaphore, #tpu.memory_space<semaphore_mem>>)
          %dma_wait3A_189 = tpu.memref_slice %arg3[%sub3A_184] : memref<4096xf32, #tpu.memory_space<hbm>> -> memref<16xf32, #tpu.memory_space<hbm>>
          %dma_wait3A_190 = tpu.memref_slice %arg3[%sub3A_184] : memref<4096xf32, #tpu.memory_space<hbm>> -> memref<16xf32, #tpu.memory_space<hbm>>
          tpu.wait_dma2 semaphore(%run_scoped3A : memref<!tpu.dma_semaphore, #tpu.memory_space<semaphore_mem>>) src(%arg9 : memref<16xf32, #tpu.memory_space<vmem>>) dst(%dma_wait3A_190 : memref<16xf32, #tpu.memory_space<hbm>>)
          tpu.yield
        }) : () -> ()
        %sub3A_185 = arith.constant 6000 : i32
        %sub3A_186 = arith.subi %add3A_15, %sub3A_185 : i32
        "tpu.region"() ({
          %run_scoped3A = tpu.sem_alloc : memref<!tpu.dma_semaphore, #tpu.memory_space<semaphore_mem>>
          %dma_start3A_187 = tpu.memref_slice %arg4[%sub3A_186] : memref<4096xf32, #tpu.memory_space<hbm>> -> memref<16xf32, #tpu.memory_space<hbm>>
          %dma_start3A_188 = tpu.memref_slice %arg4[%sub3A_186] : memref<4096xf32, #tpu.memory_space<hbm>> -> memref<16xf32, #tpu.memory_space<hbm>>
          tpu.enqueue_dma source(%arg10 : memref<16xf32, #tpu.memory_space<vmem>>) target(%dma_start3A_188 : memref<16xf32, #tpu.memory_space<hbm>>) target_semaphore(%run_scoped3A : memref<!tpu.dma_semaphore, #tpu.memory_space<semaphore_mem>>)
          %dma_wait3A_189 = tpu.memref_slice %arg4[%sub3A_186] : memref<4096xf32, #tpu.memory_space<hbm>> -> memref<16xf32, #tpu.memory_space<hbm>>
          %dma_wait3A_190 = tpu.memref_slice %arg4[%sub3A_186] : memref<4096xf32, #tpu.memory_space<hbm>> -> memref<16xf32, #tpu.memory_space<hbm>>
          tpu.wait_dma2 semaphore(%run_scoped3A : memref<!tpu.dma_semaphore, #tpu.memory_space<semaphore_mem>>) src(%arg10 : memref<16xf32, #tpu.memory_space<vmem>>) dst(%dma_wait3A_190 : memref<16xf32, #tpu.memory_space<hbm>>)
          tpu.yield
        }) : () -> ()
      } else {
      }
      %scan3A_18 = arith.constant 0 : i32
      scf.yield %scan3A_18 : i32
    }
    %scan3A_10 = arith.constant 8 : i32
    return
  }
}

module attributes {stable_mosaic.version = 14 : i64} {
  func.func @body(%arg0: i32, %arg1: memref<240x9984xf32, #tpu.memory_space<vmem>>, %arg2: memref<240x128xf32, #tpu.memory_space<vmem>>, %arg3: memref<128x128xf32, #tpu.memory_space<vmem>>, %arg4: memref<240x16xf32, #tpu.memory_space<vmem>>, %arg5: memref<240x128xf32, #tpu.memory_space<vmem>>) attributes {dimension_semantics = [#tpu.dimension_semantics<arbitrary>], iteration_bounds = array<i64: 25>, scalar_prefetch = 0 : i64, scratch_operands = 0 : i64, tpu.core_type = #tpu.core_type<tc>, window_params = [{transform_indices = @transform_0, window_bounds = array<i64: 240, 9984>}, {transform_indices = @transform_1, window_bounds = array<i64: 240, 128>}, {pipeline_mode = #tpu.pipeline_mode<synchronous>, transform_indices = @transform_2, window_bounds = array<i64: 128, 128>}, {transform_indices = @transform_3, window_bounds = array<i64: 240, 16>}, {transform_indices = @transform_4, window_bounds = array<i64: 240, 128>}]} {
    %get3A = arith.constant 0 : index
    %get3A_0 = arith.constant 0 : index
    %get3A_1 = vector.load %arg1[%get3A, %get3A_0] : memref<240x9984xf32, #tpu.memory_space<vmem>>, vector<240x9984xf32>
    %get3A_2 = arith.constant 0 : index
    %get3A_3 = arith.constant 0 : index
    %get3A_4 = vector.load %arg4[%get3A_2, %get3A_3] : memref<240x16xf32, #tpu.memory_space<vmem>>, vector<240x16xf32>
    %reduce_max3A = arith.constant dense<0xFF800000> : vector<240xf32>
    %reduce_max3A_5 = vector.multi_reduction <maximumf>, %get3A_1, %reduce_max3A [1] : vector<240x9984xf32> to vector<240xf32>
    %broadcast_in_dim3A = vector.shape_cast %reduce_max3A_5 : vector<240xf32> to vector<240x1xf32>
    %reduce_max3A_6 = arith.constant dense<0xFF800000> : vector<240xf32>
    %reduce_max3A_7 = vector.multi_reduction <maximumf>, %get3A_4, %reduce_max3A_6 [1] : vector<240x16xf32> to vector<240xf32>
    %broadcast_in_dim3A_8 = vector.shape_cast %reduce_max3A_7 : vector<240xf32> to vector<240x1xf32>
    %max3A = arith.maximumf %broadcast_in_dim3A, %broadcast_in_dim3A_8 : vector<240x1xf32>
    %reduce_min3A = arith.constant dense<0x7F800000> : vector<240xf32>
    %reduce_min3A_9 = vector.multi_reduction <minimumf>, %get3A_1, %reduce_min3A [1] : vector<240x9984xf32> to vector<240xf32>
    %broadcast_in_dim3A_10 = vector.shape_cast %reduce_min3A_9 : vector<240xf32> to vector<240x1xf32>
    %reduce_min3A_11 = arith.constant dense<0x7F800000> : vector<240xf32>
    %reduce_min3A_12 = vector.multi_reduction <minimumf>, %get3A_4, %reduce_min3A_11 [1] : vector<240x16xf32> to vector<240xf32>
    %broadcast_in_dim3A_13 = vector.shape_cast %reduce_min3A_12 : vector<240xf32> to vector<240x1xf32>
    %min3A = arith.minimumf %broadcast_in_dim3A_10, %broadcast_in_dim3A_13 : vector<240x1xf32>
    %get3A_14 = arith.constant 0 : index
    %get3A_15 = arith.constant 0 : index
    %get3A_16 = vector.load %arg2[%get3A_14, %get3A_15] : memref<240x128xf32, #tpu.memory_space<vmem>>, vector<240x128xf32>
    %get3A_17 = arith.constant 0 : index
    %get3A_18 = arith.constant 0 : index
    %get3A_19 = vector.load %arg3[%get3A_17, %get3A_18] : memref<128x128xf32, #tpu.memory_space<vmem>>, vector<128x128xf32>
    %dot_general3A = arith.constant dense<0.000000e+00> : vector<240x128xf32>
    %dot_general3A_20 = tpu.matmul %get3A_16, %get3A_19, %dot_general3A {dimension_numbers = #tpu.dot_dimension_numbers<[1], [0], [0], [1], [0, 0, 1, 1], [], []>, transpose_lhs_hint = false} : vector<240x128xf32>, vector<128x128xf32>, vector<240x128xf32> -> vector<240x128xf32>
    %mul3A = vector.broadcast %max3A : vector<240x1xf32> to vector<240x128xf32>
    %mul3A_21 = arith.mulf %dot_general3A_20, %mul3A : vector<240x128xf32>
    %mul3A_22 = vector.broadcast %min3A : vector<240x1xf32> to vector<240x128xf32>
    %mul3A_23 = arith.mulf %dot_general3A_20, %mul3A_22 : vector<240x128xf32>
    %max3A_24 = arith.maximumf %mul3A_21, %mul3A_23 : vector<240x128xf32>
    %max3A_25 = arith.constant 0.000000e+00 : f32
    %max3A_26 = vector.broadcast %max3A_25 : f32 to vector<240x128xf32>
    %max3A_27 = arith.maximumf %max3A_24, %max3A_26 : vector<240x128xf32>
    %swap3A = arith.constant 0 : index
    %swap3A_28 = arith.constant 0 : index
    %swap3A_29 = vector.load %arg5[%swap3A, %swap3A_28] : memref<240x128xf32, #tpu.memory_space<vmem>>, vector<240x128xf32>
    tpu.vector_store %arg5[%swap3A, %swap3A_28], %max3A_27 {strides = array<i32>} : memref<240x128xf32, #tpu.memory_space<vmem>>, vector<240x128xf32>,
    return
  }
  func.func @transform_0(%arg0: i32) -> (i32, i32) {
    %c0_i32 = arith.constant 0 : i32
    %c0_i32_0 = arith.constant 0 : i32
    return %arg0, %c0_i32 : i32, i32
  }
  func.func @transform_1(%arg0: i32) -> (i32, i32) {
    %c0_i32 = arith.constant 0 : i32
    %c0_i32_0 = arith.constant 0 : i32
    return %arg0, %c0_i32 : i32, i32
  }
  func.func @transform_2(%arg0: i32) -> (i32, i32) {
    %c0_i32 = arith.constant 0 : i32
    %c0_i32_0 = arith.constant 0 : i32
    %c0_i32_1 = arith.constant 0 : i32
    return %c0_i32, %c0_i32_0 : i32, i32
  }
  func.func @transform_3(%arg0: i32) -> (i32, i32) {
    %c0_i32 = arith.constant 0 : i32
    %c0_i32_0 = arith.constant 0 : i32
    return %arg0, %c0_i32 : i32, i32
  }
  func.func @transform_4(%arg0: i32) -> (i32, i32) {
    %c0_i32 = arith.constant 0 : i32
    %c0_i32_0 = arith.constant 0 : i32
    return %arg0, %c0_i32 : i32, i32
  }
}

module attributes {stable_mosaic.version = 14 : i64} {
  func.func @body(%arg0: i32, %arg1: memref<1000x128xf32, #tpu.memory_space<vmem>>, %arg2: memref<128x128xf32, #tpu.memory_space<vmem>>, %arg3: memref<2x1000x1xf32, #tpu.memory_space<vmem>>, %arg4: memref<1000x16xf32, #tpu.memory_space<vmem>>, %arg5: memref<10000x128xf32, #tpu.memory_space<any>>, %arg6: memref<1000x128xf32, #tpu.memory_space<vmem>>) attributes {dimension_semantics = [#tpu.dimension_semantics<arbitrary>], iteration_bounds = array<i64: 4>, scalar_prefetch = 0 : i64, scratch_operands = 0 : i64, tpu.core_type = #tpu.core_type<tc>, window_params = [{transform_indices = @transform_0, window_bounds = array<i64: 1000, 128>}, {pipeline_mode = #tpu.pipeline_mode<synchronous>, transform_indices = @transform_1, window_bounds = array<i64: 128, 128>}, {transform_indices = @transform_2, window_bounds = array<i64: 2, 1000, 1>}, {transform_indices = @transform_3, window_bounds = array<i64: 1000, 16>}, {}, {transform_indices = @transform_5, window_bounds = array<i64: 1000, 128>}]} {
    %get3A = arith.constant 0 : index
    %get3A_0 = arith.constant 0 : index
    %get3A_1 = vector.load %arg1[%get3A, %get3A_0] : memref<1000x128xf32, #tpu.memory_space<vmem>>, vector<1000x128xf32>
    %get3A_2 = arith.constant 0 : index
    %get3A_3 = arith.constant 0 : index
    %get3A_4 = vector.load %arg2[%get3A_2, %get3A_3] : memref<128x128xf32, #tpu.memory_space<vmem>>, vector<128x128xf32>
    %dot_general3A = arith.constant dense<0.000000e+00> : vector<1000x128xf32>
    %dot_general3A_5 = tpu.matmul %get3A_1, %get3A_4, %dot_general3A {dimension_numbers = #tpu.dot_dimension_numbers<[1], [0], [0], [1], [0, 0, 1, 1], [], []>, transpose_lhs_hint = false} : vector<1000x128xf32>, vector<128x128xf32>, vector<1000x128xf32> -> vector<1000x128xf32>
    %get3A_6 = arith.constant 0 : index
    %get3A_7 = arith.constant 0 : index
    %get3A_8 = vector.load %arg4[%get3A_6, %get3A_7] : memref<1000x16xf32, #tpu.memory_space<vmem>>, vector<1000x16xf32>
    %get3A_9 = arith.constant 0 : index
    %get3A_10 = arith.constant 0 : index
    %get3A_11 = arith.constant 0 : index
    %get3A_12 = vector.load %arg3[%get3A_9, %get3A_10, %get3A_11] : memref<2x1000x1xf32, #tpu.memory_space<vmem>>, vector<2x1000x1xf32>
    %slice3A = vector.extract_strided_slice %get3A_12 {offsets = [0, 0, 0], sizes = [1, 1000, 1], strides = [1, 1, 1]} : vector<2x1000x1xf32> to vector<1x1000x1xf32>
    %squeeze3A = vector.shape_cast %slice3A : vector<1x1000x1xf32> to vector<1000x1xf32>
    %reduce_max3A = arith.constant dense<0xFF800000> : vector<1000xf32>
    %reduce_max3A_13 = vector.multi_reduction <maximumf>, %get3A_8, %reduce_max3A [1] : vector<1000x16xf32> to vector<1000xf32>
    %broadcast_in_dim3A = vector.shape_cast %reduce_max3A_13 : vector<1000xf32> to vector<1000x1xf32>
    %max3A = arith.maximumf %squeeze3A, %broadcast_in_dim3A : vector<1000x1xf32>
    %slice3A_14 = vector.extract_strided_slice %get3A_12 {offsets = [1, 0, 0], sizes = [1, 1000, 1], strides = [1, 1, 1]} : vector<2x1000x1xf32> to vector<1x1000x1xf32>
    %squeeze3A_15 = vector.shape_cast %slice3A_14 : vector<1x1000x1xf32> to vector<1000x1xf32>
    %reduce_min3A = arith.constant dense<0x7F800000> : vector<1000xf32>
    %reduce_min3A_16 = vector.multi_reduction <minimumf>, %get3A_8, %reduce_min3A [1] : vector<1000x16xf32> to vector<1000xf32>
    %broadcast_in_dim3A_17 = vector.shape_cast %reduce_min3A_16 : vector<1000xf32> to vector<1000x1xf32>
    %min3A = arith.minimumf %squeeze3A_15, %broadcast_in_dim3A_17 : vector<1000x1xf32>
    %mul3A = vector.broadcast %max3A : vector<1000x1xf32> to vector<1000x128xf32>
    %mul3A_18 = arith.mulf %dot_general3A_5, %mul3A : vector<1000x128xf32>
    %mul3A_19 = vector.broadcast %min3A : vector<1000x1xf32> to vector<1000x128xf32>
    %mul3A_20 = arith.mulf %dot_general3A_5, %mul3A_19 : vector<1000x128xf32>
    %max3A_21 = arith.maximumf %mul3A_18, %mul3A_20 : vector<1000x128xf32>
    %max3A_22 = arith.constant 0.000000e+00 : f32
    %max3A_23 = vector.broadcast %max3A_22 : f32 to vector<1000x128xf32>
    %max3A_24 = arith.maximumf %max3A_21, %max3A_23 : vector<1000x128xf32>
    %swap3A = arith.constant 0 : index
    %swap3A_25 = arith.constant 0 : index
    %swap3A_26 = vector.load %arg6[%swap3A, %swap3A_25] : memref<1000x128xf32, #tpu.memory_space<vmem>>, vector<1000x128xf32>
    tpu.vector_store %arg6[%swap3A, %swap3A_25], %max3A_24 {strides = array<i32>} : memref<1000x128xf32, #tpu.memory_space<vmem>>, vector<1000x128xf32>,
    return
  }
  func.func @transform_0(%arg0: i32) -> (i32, i32) {
    %add3A = arith.constant 6 : i32
    %add3A_0 = arith.addi %arg0, %add3A : i32
    %c0_i32 = arith.constant 0 : i32
    %c0_i32_1 = arith.constant 0 : i32
    return %add3A_0, %c0_i32 : i32, i32
  }
  func.func @transform_1(%arg0: i32) -> (i32, i32) {
    %c0_i32 = arith.constant 0 : i32
    %c0_i32_0 = arith.constant 0 : i32
    %c0_i32_1 = arith.constant 0 : i32
    return %c0_i32, %c0_i32_0 : i32, i32
  }
  func.func @transform_2(%arg0: i32) -> (i32, i32, i32) {
    %c0_i32 = arith.constant 0 : i32
    %c0_i32_0 = arith.constant 0 : i32
    %c0_i32_1 = arith.constant 0 : i32
    return %c0_i32, %arg0, %c0_i32_0 : i32, i32, i32
  }
  func.func @transform_3(%arg0: i32) -> (i32, i32) {
    %add3A = arith.constant 6 : i32
    %add3A_0 = arith.addi %arg0, %add3A : i32
    %c0_i32 = arith.constant 0 : i32
    %c0_i32_1 = arith.constant 0 : i32
    return %add3A_0, %c0_i32 : i32, i32
  }
  func.func @transform_5(%arg0: i32) -> (i32, i32) {
    %add3A = arith.constant 6 : i32
    %add3A_0 = arith.addi %arg0, %add3A : i32
    %c0_i32 = arith.constant 0 : i32
    %c0_i32_1 = arith.constant 0 : i32
    return %add3A_0, %c0_i32 : i32, i32
  }
}

</mosaic_0001>

<sc_bundles>
// kernel: kernel.5.cloned.1.call-start
scs
__scs_entry_jumppad:
0x0: {  	(pc) =	sbr.rel $0x88, $3  }
0x1: {  	(tag) =	ssettag $0x0;
	lr =	simm.s32 $0x1  }
0x2: {  	[smem:$0x3F9E] =	sst lr;
	_ =	strace $0xD0000000  }
0x3: {  	_ = 	snop  }
0x4: {  	_ = 	snop  }
0x5: {  	_ = 	snop  }
0x6: {  	_ = 	snop  }
0x7: {  	_ = 	snop  }
__scs_overlays_trampoline_lowered:
0x8: {  	[smem:$0x3FAD] =	sst s0  }
0x9: {  	[smem:$0x3FAE] =	sst s1  }
0xa: {  	[smem:$0x3FAF] =	sst s2  }
0xb: {  	[smem:$0x3FB0] =	sst s3  }
0xc: {  	[smem:$0x3FB1] =	sst s4  }
0xd: {  	[smem:$0x3FB2] =	sst s5  }
0xe: {  	[smem:$0x3FB3] =	sst s6  }
0xf: {  	[smem:$0x3FB4] =	sst s7  }
0x10: {  	[smem:$0x3FB5] =	sst s8  }
0x11: {  	[smem:$0x3FB6] =	sst s9;
	s0 =	simm.s32 @!p0 $0x0  }
0x12: {  	s1 =	sld [smem:$0x3F9C];
	s0 =	simm.s32 @p0 $0x1  }
0x13: {  	[smem:$0x3FB7] =	sst s0;
	s0 =	simm.s32 @!p1 $0x0  }
0x14: {  	s2 =	sld [smem:$0x3F9B];
	s0 =	simm.s32 @p1 $0x1  }
0x15: {  	[smem:$0x3FB8] =	sst s0;
	s0 =	simm.s32 @!p2 $0x0  }
0x16: {  	s3 =	sld [smem:$0x3FDB];
	s0 =	simm.s32 @p2 $0x1  }
0x17: {  	s4 =	simm.s32 $0x1BF5;
	[smem:$0x3FBA] =	sst s0  }
0x18: {  	s0 =	sld [smem:$0x3F9D];
	_ =	swait.ge [sflag:s4], $0x0  }
0x19: {  	s7 =	sld [smem:$0x3F9E]  }
0x1a: {  	s8 =	sadd.s32 $0xFFFFE003, lr  }
0x1b: {  	s9 =	sadd.s32 $0xFFFFFEF7, lr;
	s5 =	simm.s32 $0xFFFFFFFF;
	p2 =	slt.u32 s8, $0xFFFFF086  }
0x1c: {  	p1 =	slt.u32 s9, $0xF7A;
	s5 =	simm.s32 @!p2 $0x0  }
0x1d: {  	s5 =	simm.s32 @p1 $0x1;
	p0 =	seq.s32 s7, s2  }
0x1e: {  	s7 =	smul.u32 @!p0 $0xF7A, s2;
	p2 =	seq.s32 @!p0 s5, $0x0  }
0x1f: {  	s9 =	smul.u32 $0xF7A, s1;
	s8 =	simm.s32 @!p0 $0x1BF5;
	p2 =	por !p2, p0  }
0x20: {  	[sflag:s8] =	ssyncset.s32 @!p0 $0xFFFFF086;
	s6 =	sadd.s32 @!p0 s3, s7;
	s7 =	simm.s32 @!p0 $0x108  }
0x21: {  	s3 =	sadd.s32 s3, s9;
	s6 =	sadd.s32 @!p0 $0x88, s6;
	s7 =	simm.s32 @p2 $0x1082  }
0x22: {  	[simem:s7], [sflag:s8] =	dma.local @!p0 [hbm:s6], $0xF7A  }
0x23: {  	s9 =	sor.u32 $0xD0000000, s2;
	s6 =	simm.s32 $0x108;
	_ =	swait.ge @!p0 [sflag:s8], $0x0  }
0x24: {  	s3 =	sadd.s32 $0x88, s3;
	s6 =	simm.s32 @!p1 $0x1082;
	[sflag:s4] =	ssyncset.s32 $0xFFFFF086  }
0x25: {  	[simem:s6], [sflag:s4] =	dma.local [hbm:s3], $0xF7A  }
0x26: {  	[smem:$0x3F9E] =	sst s1;
	(tag) =	ssettag s2;
	_ =	strace s9  }
0x27: {  	s1 =	sld [smem:$0x3FAE]  }
0x28: {  	s2 =	sld [smem:$0x3FAF]  }
0x29: {  	s4 =	sld [smem:$0x3FB1]  }
0x2a: {  	p0 =	seq.s32 s5, $0x0;
	s5 =	sld [smem:$0x3FB2]  }
0x2b: {  	s6 =	sld [smem:$0x3FB3]  }
0x2c: {  	s7 =	sld [smem:$0x3FB4]  }
0x2d: {  	s3 =	simm.s32 $0x108;
	s8 =	sld [smem:$0x3FB5]  }
0x2e: {  	s3 =	simm.s32 @!p0 $0x1082;
	s9 =	sld [smem:$0x3FB6]  }
0x2f: {  	lr =	sadd.s32 s0, s3;
	s0 =	sld [smem:$0x3FAD]  }
0x30: {  	s3 =	sld [smem:$0x3FB0]  }
0x31: {  	[smem:$0x3FB9] =	sst s10  }
0x32: {  	s10 =	sld [smem:$0x3FB7];
	_ =	sdelay $0x3  }
0x33: {  	p0 =	seq.s32 s10, $0x1;
	s10 =	sld [smem:$0x3FB9];
	_ =	sdelay $0x3  }
0x34: {  	[smem:$0x3FB9] =	sst s10  }
0x35: {  	s10 =	sld [smem:$0x3FB8];
	_ =	sdelay $0x3  }
0x36: {  	p1 =	seq.s32 s10, $0x1;
	s10 =	sld [smem:$0x3FB9];
	_ =	sdelay $0x3  }
0x37: {  	[smem:$0x3FB9] =	sst s10  }
0x38: {  	s10 =	sld [smem:$0x3FBA]  }
0x39: {  	_ = 	snop;
	(pc) =	sbr.ind lr, $3  }
0x3a: {  	_ = 	snop  }
0x3b: {  	_ = 	snop  }
0x3c: {  	p2 =	seq.s32 s10, $0x1;
	s10 =	sld [smem:$0x3FB9]  }
0x3d: {  	_ =	shalt  }
0x3e: {  	_ =	shalt  }
0x3f: {  	_ =	shalt  }
0x40: {  	_ =	shalt  }
0x41: {  	_ =	shalt  }
0x42: {  	_ =	shalt  }
0x43: {  	_ =	shalt  }
0x44: {  	_ =	shalt  }
0x45: {  	_ =	shalt  }
0x46: {  	_ =	shalt  }
0x47: {  	_ =	shalt  }
0x48: {  	_ =	shalt  }
0x49: {  	_ =	shalt  }
0x4a: {  	_ =	shalt  }
0x4b: {  	_ =	shalt  }
0x4c: {  	_ =	shalt  }
0x4d: {  	_ =	shalt  }
0x4e: {  	_ =	shalt  }
0x4f: {  	_ =	shalt  }
0x50: {  	_ =	shalt  }
0x51: {  	_ =	shalt  }
0x52: {  	_ =	shalt  }
0x53: {  	_ =	shalt  }
0x54: {  	_ =	shalt  }
0x55: {  	_ =	shalt  }
0x56: {  	_ =	shalt  }
0x57: {  	_ =	shalt  }
0x58: {  	_ =	shalt  }
0x59: {  	_ =	shalt  }
0x5a: {  	_ =	shalt  }
0x5b: {  	_ =	shalt  }
0x5c: {  	_ =	shalt  }
0x5d: {  	_ =	shalt  }
0x5e: {  	_ =	shalt  }
0x5f: {  	_ =	shalt  }
0x60: {  	_ =	shalt  }
0x61: {  	_ =	shalt  }
0x62: {  	_ =	shalt  }
0x63: {  	_ =	shalt  }
0x64: {  	_ =	shalt  }
0x65: {  	_ =	shalt  }
0x66: {  	_ =	shalt  }
0x67: {  	_ =	shalt  }
0x68: {  	_ =	shalt  }
0x69: {  	_ =	shalt  }
0x6a: {  	_ =	shalt  }
0x6b: {  	_ =	shalt  }
0x6c: {  	_ =	shalt  }
0x6d: {  	_ =	shalt  }
0x6e: {  	_ =	shalt  }
0x6f: {  	_ =	shalt  }
0x70: {  	_ =	shalt  }
0x71: {  	_ =	shalt  }
0x72: {  	_ =	shalt  }
0x73: {  	_ =	shalt  }
0x74: {  	_ =	shalt  }
0x75: {  	_ =	shalt  }
0x76: {  	_ =	shalt  }
0x77: {  	_ =	shalt  }
0x78: {  	_ =	shalt  }
0x79: {  	_ =	shalt  }
0x7a: {  	_ =	shalt  }
0x7b: {  	_ =	shalt  }
0x7c: {  	_ =	shalt  }
0x7d: {  	_ =	shalt  }
0x7e: {  	_ =	shalt  }
0x7f: {  	_ =	shalt  }
0x80: {  	_ =	shalt  }
0x81: {  	_ =	shalt  }
0x82: {  	_ =	shalt  }
0x83: {  	_ =	shalt  }
0x84: {  	_ =	shalt  }
0x85: {  	_ =	shalt  }
0x86: {  	_ =	shalt  }
0x87: {  	_ =	shalt  }
.Lfunc_end0:
.L_simem_size_0:
called_computation_lowered:
.L_overlay_start_0:
0x88: {  	s2 =	sld [smem:$0x3FD9]  }
0x89: {  	s3 =	sld [smem:$0x3FFE];
	_ =	sdelay $0x1  }
0x8a: {  	s1 =	srdreg.scid  }
0x8b: {  	s0 =	sand.u32 $0x1, s1  }
0x8c: {  	s17 =	sshll.u32 s0, $0xA;
	s2 =	sadd.s32 s3, s2  }
0x8d: {  	s2 =	sadd.s32 s2, s17  }
0x8e: {  	[smem:$0x3FC5] =	sst s2  }
0x8f: {  	_ = 	snop  }
0x90: {  	s2 =	sld [smem:$0x3FC8];
	(tm) =	ssettm $0x1  }
0x91: {  	s18 =	sld [smem:$0x3FFB];
	_ =	sdelay $0x3  }
0x92: {  	_ =	strace s18  }
0x93: {  	s3 =	sld [smem:$0x3FFC];
	_ =	sdelay $0x3  }
0x94: {  	_ =	strace s3  }
0x95: {  	s3 =	sld [smem:$0x3FFD];
	_ =	sdelay $0x3  }
0x96: {  	_ =	strace s3  }
0x97: {  	_ =	strace $0x8FFFFFFF  }
0x98: {  	s19 =	sld [smem:$0x3FDB];
	_ =	sdelay $0x1  }
0x99: {  	s4 =	simm.s32 $_scs_section_size  }
0x9a: {  	s5 =	simm.s32 $_size__tile_overlayer_lowered;
	s6 =	simm.s32 $_tile_overlayer_lowered  }
0x9b: {  	s22 =	simm.s32 $0x1BFF;
	s21 =	sshll.u32 s6, $0x1;
	s3 =	sadd.s32 s4, s19  }
0x9c: {  	s7 =	simm.s32 $0x0;
	s20 =	sshll.u32 s5, $0x1;
	s5 =	sadd.s32 s21, s3  }
0x9d: {  	[timem:s7], [sflag:s22] =	dma.local [hbm:s5], s20  }
0x9e: {  	_ =	swait.ge [sflag:s22], s20  }
0x9f: {  	s4 =	ssub.s32 $0x0, s20;
	[sflag:s22] =	ssyncset.done $0x0  }
0xa0: {  	[sflag:s22] =	ssyncadd.s32 s4;
	_ =	sdelay $0x1  }
0xa1: {  	s23 =	simm.s32 $0x1B8B  }
0xa2: {  	_ =	swait.ge [sflag:s23], $0x1  }
0xa3: {  	[sflag:s23] =	ssyncset.done $0x0  }
0xa4: {  	s25 =	simm.s32 $0x1B8E;
	s24 =	sld [smem:$0x3FFE];
	[sflag:s23] =	ssyncadd.s32 $0xFFFFFFFF  }
0xa5: {  	s26 =	simm.s32 $execute0_lowered;
	[smem:$0x3FD2] =	sst s25  }
0xa6: {  	s5 =	sshll.u32 s26, $0x1;
	_ =	strace $0x80000046;
	[dreg:$0x1] =	wrdreg $0xFFFFFFFF  }
0xa7: {  	s28 =	simm.s32 $_size_execute0_lowered;
	s3 =	sadd.s32 s3, s5;
	[dreg:$0x0] =	wrdreg $0x0  }
0xa8: {  	s5 =	sshll.u32 s28, $0x1;
	[dreg:$0x2] =	wrdreg s3  }
0xa9: {  	[dreg:$0x3] =	wrdreg s5  }
0xaa: {  	[dreg:$0x4] =	wrdreg $0xC0  }
0xab: {  	_ =	task [dreg:s7], $0x5FFFF  }
0xac: {  	[dreg:$0x1] =	wrdreg $0xFFFFFFFF  }
0xad: {  	[dreg:$0x0] =	wrdreg $0x60  }
0xae: {  	[dreg:$0x2] =	wrdreg s2  }
0xaf: {  	[dreg:$0x3] =	wrdreg s24  }
0xb0: {  	[dreg:$0x4] =	wrdreg $0x9  }
0xb1: {  	_ =	task.clear_ibuf [dreg:s7], $0x5FFFF;
	_ =	strace $0x90000046  }
0xb2: {  	s29 =	simm.s32 $0x9;
	_ =	strace $0x80000048  }
0xb3: {  	_ =	swait.ge [sflag:s29], $0x1  }
0xb4: {  	[sflag:s29] =	ssyncadd.s32 $0xFFFFFFFF  }
0xb5: {  	_ =	strace $0x90000048  }
0xb6: {  	_ =	sfence  }
0xb7: {  	s30 =	sld [smem:$0x0];
	_ =	sdelay $0x2  }
0xb8: {  	s31 =	sshll.u32 s1, $0xD;
	s1 =	sshrl.u32 s1, $0x2  }
0xb9: {  	s3 =	sand.u32 $0x4000, s31;
	s1 =	sadd.s32 s1, s30  }
0xba: {  	s0 =	sor.u32 s3, s0;
	s1 =	sshll.u32 s1, $0x11  }
0xbb: {  	s0 =	sor.u32 s1, s0  }
0xbc: {  	s0 =	sadd.s32 $0x8F2B, s0  }
0xbd: {  	[sflag:s0] =	ssyncadd.remote.s32 $0x1  }
0xbe: {  	_ =	sfence.sel $0xFFFF  }
0xbf: {  	[dreg:$0x0] =	wrdreg $0xFFFFFFFF;
	(pc) =	sbr.abs _section_cstart, $3  }
0xc0: {  	[dreg:$0x1] =	wrdreg $0xFFFFFFFF  }
0xc1: {  	_ =	task.clear_ibuf [dreg:s7], $0x2FFFF;
	_ =	strace $0x9FFFFFFF  }
0xc2: {  	(tm) =	ssettm $0x7FFFFFFF  }
0xc3: {  	_ =	shalt  }
tec
execute0_lowered:
.L_overlay_start_1:
0x0: {  	(tag) =	ssettag $0x1  }
0x1: {  	s1 =	rddreg [dreg:$0x0]  }
0x2: {  	s5 =	rddreg [dreg:$0x1]  }
0x3: {  	s0 =	rddreg [dreg:$0x2]  }
0x4: {  	s2 =	simm.s32 $0x0;
	s3 =	srdreg.scid;
	s10 =	simm.s32 $0x1  }
0x5: {  	v0 =	vlaneseq.u32;
	s11 =	simm.s32 $0x2;
	s12 =	simm.s32 $0x13800;
	s13 =	simm.s32 $0x14000  }
0x6: {  	s14 =	simm.s32 $0x14800;
	s15 =	simm.s32 $0x4;
	s16 =	simm.s32 $0x14880;
	v0 =	vmul.u32 $0x80, v0  }
0x7: {  	s17 =	simm.s32 $0x3;
	s18 =	simm.s32 $0x0;
	[smem:$0x7FF] =	sst s2  }
.Ltmp0:
0x8: {  	s6 =	sand.u32 $0x1, s3;
	s4 =	sadd.s32 $0xC00, s5;
	v1 =	vor.u32 $0x1, v0;
	v2 =	vor.u32 $0x2, v0;
	v3 =	vor.u32 $0x3, v0;
	(pc) =	sbr.rel .LBB2_1-.Ltmp0, $4  }
0x9: {  	s3 =	stileid.u32;
	s5 =	sadd.s32 $0xE00, s5;
	s7 =	ssub.s32 $0x2, s6;
	v4 =	vor.u32 $0x4, v0;
	v5 =	vor.u32 $0x5, v0;
	v6 =	vor.u32 $0x6, v0  }
0xa: {  	s9 =	sshll.u32 s3, $0x8;
	s6 =	sshll.u32 s6, $0x7;
	s8 =	sshrl.u32 s7, $0x1;
	v7 =	vor.u32 $0x7, v0;
	v8 =	vor.u32 $0x8, v0;
	v9 =	vor.u32 $0x9, v0  }
0xb: {  	_ =	strace $0x80000047;
	s6 =	sor.u32 s6, s9;
	v10 =	vor.u32 $0xA, v0;
	v11 =	vor.u32 $0xB, v0;
	v12 =	vor.u32 $0xC, v0;
	s8 =	ssub.s32 s7, s8  }
0xc: {  	s9 =	simm.s32 $0x9C00;
	v13 =	vor.u32 $0xD, v0;
	v14 =	vor.u32 $0xE, v0;
	v15 =	vor.u32 $0xF, v0;
	s7 =	sadd.s32 $0x1770, s6;
	s8 =	smax.u32 s8, $0x1  }
.LBB2_21:
0xd: {  	s18 =	sadd.s32 $0x1, s18  }
0xe: {  	p0 =	sne.s32 s18, s8  }
.Ltmp1:
0xf: {  	_ = 	snop;
	(pc) =	sbr.rel @!p0 .LBB2_22-.Ltmp1, $1  }
0x10: {  	_ =	sdelay $0x3  }
.LBB2_1:
.Ltmp2:
0x11: {  	(pc) =	sbr.rel .LBB2_2-.Ltmp2, $2  }
0x12: {  	_ =	sdelay $0x2  }
0x13: {  	s19 =	simm.s32 $0x0  }
.LBB2_20:
0x14: {  	s19 =	sadd.s32 $0x1, s19  }
0x15: {  	p0 =	sne.s32 s19, $0x8  }
.Ltmp3:
0x16: {  	_ = 	snop;
	(pc) =	sbr.rel @!p0 .LBB2_21-.Ltmp3, $1  }
0x17: {  	_ =	sdelay $0x3  }
.LBB2_2:
0x18: {  	s20 =	sshll.u32 s19, $0x4  }
0x19: {  	s21 =	sadd.s32 s20, s7  }
0x1a: {  	p0 =	sgt.u32 s21, $0x270F  }
.Ltmp4:
0x1b: {  	_ = 	snop;
	(pc) =	sbr.rel @p0 .LBB2_20-.Ltmp4, $1  }
0x1c: {  	_ =	sdelay $0x3  }
0x1d: {  	s21 =	sshrl.u32 s21, $0x3  }
0x1e: {  	s21 =	smul.u32 $0x13C00, s21;
	_ =	sdelay $0x1  }
0x1f: {  	s21 =	sshrl.u32 s21, $0x3  }
0x20: {  	s22 =	simm.s32 $0x0;
	s21 =	sadd.s32 s1, s21  }
0x21: {  	[tilespmem:s22], [sflag:$0x1] =	stream.linear.gather [hbm4b:s21+s22], $0x9C00, $0x38;
	[tilespmem:$0x14900] =	vst v63  }
0x22: {  	s23 =	sadd.s32 $0x1380, s21  }
0x23: {  	[tilespmem:s9], [sflag:$0x2] =	stream.linear.gather [hbm4b:s23+s22], $0x9C00, $0x38;
	[tilespmem:$0x14900] =	vst v63  }
0x24: {  	_ =	swait.ge [sflag:s10], $0x9C00  }
0x25: {  	[sflag:s10] =	ssyncset.done $0x0  }
0x26: {  	s31 =	sadd.s32 $0x2780, s21;
	s23 =	simm.s32 $0x40;
	[sflag:s10] =	ssyncadd.s32 $0xFFFF6400  }
0x27: {  	[tilespmem:s22], [sflag:$0x1] =	stream.linear.gather [hbm4b:s31+s22], $0x9C00, $0x38;
	[tilespmem:$0x14900] =	vst v63  }
.LBB2_4:
0x28: {  	v18 =	vld [tilespmem:s23+$0xFFFFFFC0]  }
0x29: {  	v19 =	vld [tilespmem:s23+$0xFFFFFFD0]  }
0x2a: {  	v20 =	vld [tilespmem:s23+$0xFFFFFFE0]  }
0x2b: {  	v16 =	vld [tilespmem:s23+$0xFFFFFFF0]  }
0x2c: {  	v21 =	vimm.f32 $-Inf;
	v22 =	vimm.f32 $+Inf;
	v17 =	vld [tilespmem:s23+$0x0]  }
0x2d: {  	v21 =	vmax.f32 v21, v18;
	v22 =	vmin.f32 v22, v18;
	v18 =	vld [tilespmem:s23+$0x10]  }
0x2e: {  	v21 =	vmax.f32 v21, v19;
	v22 =	vmin.f32 v22, v19;
	v19 =	vld [tilespmem:s23+$0x20]  }
0x2f: {  	s24 =	simm.s32 $0x0;
	s25 =	sadd.s32 $0x400, s23;
	v21 =	vmax.f32 v21, v20;
	v22 =	vmin.f32 v22, v20;
	v20 =	vld [tilespmem:s23+$0x30]  }
.LBB2_5:
0x30: {  	v23 =	vld [tilespmem:s25+$0xFFFFFFC0];
	s24 =	sadd.s32 $0x8, s24;
	v21 =	vmax.f32 v21, v16;
	v16 =	vmin.f32 v22, v16  }
0x31: {  	v22 =	vld [tilespmem:s25+$0xFFFFFFD0];
	p0 =	slt.u32 s24, $0x130;
	v21 =	vmax.f32 v21, v17;
	v16 =	vmin.f32 v16, v17  }
0x32: {  	v24 =	vld [tilespmem:s25+$0xFFFFFFE0];
	v17 =	vmax.f32 v21, v18;
	v18 =	vmin.f32 v16, v18  }
.Ltmp5:
0x33: {  	v16 =	vld [tilespmem:s25+$0xFFFFFFF0];
	v21 =	vmax.f32 v17, v19;
	v18 =	vmin.f32 v18, v19;
	(pc) =	sbr.rel @p0 .LBB2_5-.Ltmp5, $4  }
0x34: {  	v17 =	vld [tilespmem:s25+$0x0];
	v19 =	vmax.f32 v21, v20;
	v18 =	vmin.f32 v18, v20  }
0x35: {  	v19 =	vmax.f32 v19, v23;
	v20 =	vmin.f32 v18, v23;
	v18 =	vld [tilespmem:s25+$0x10]  }
0x36: {  	v21 =	vmax.f32 v19, v22;
	v20 =	vmin.f32 v20, v22;
	v19 =	vld [tilespmem:s25+$0x20]  }
0x37: {  	v21 =	vmax.f32 v21, v24;
	v22 =	vmin.f32 v20, v24;
	v20 =	vld [tilespmem:s25+$0x30];
	s25 =	sadd.s32 $0x400, s25  }
0x38: {  	v21 =	vmax.f32 v21, v16;
	s24 =	sshll.u32 s22, $0x7;
	s22 =	sadd.s32 $0x1, s22  }
0x39: {  	v16 =	vmin.f32 v22, v16;
	v21 =	vmax.f32 v21, v17;
	p0 =	sne.s32 s22, $0x8  }
.Ltmp6:
0x3a: {  	v16 =	vmin.f32 v16, v17;
	v17 =	vmax.f32 v21, v18;
	(pc) =	sbr.rel @p0 .LBB2_4-.Ltmp6, $4  }
0x3b: {  	v16 =	vmin.f32 v16, v18;
	v17 =	vmax.f32 v17, v19  }
0x3c: {  	v16 =	vmin.f32 v16, v19;
	v17 =	vmax.f32 v17, v20  }
0x3d: {  	v16 =	vmin.f32 v16, v20;
	[tilespmem:s24+$0x13800] =	vst v17  }
0x3e: {  	s23 =	sadd.s32 $0x80, s23;
	[tilespmem:s24+$0x14000] =	vst v16  }
0x3f: {  	_ =	swait.ge [sflag:s11], $0x9C00  }
0x40: {  	[sflag:s11] =	ssyncset.done $0x0  }
0x41: {  	s22 =	sadd.s32 $0x3B00, s21;
	s21 =	simm.s32 $0x0;
	[sflag:s11] =	ssyncadd.s32 $0xFFFF6400  }
0x42: {  	[tilespmem:s9], [sflag:$0x2] =	stream.linear.gather [hbm4b:s22+s21], $0x9C00, $0x38;
	[tilespmem:$0x14900] =	vst v63  }
0x43: {  	s22 =	simm.s32 $0x9C40  }
.LBB2_8:
0x44: {  	v18 =	vld [tilespmem:s22+$0xFFFFFFC0]  }
0x45: {  	v19 =	vld [tilespmem:s22+$0xFFFFFFD0]  }
0x46: {  	v20 =	vld [tilespmem:s22+$0xFFFFFFE0]  }
0x47: {  	v17 =	vld [tilespmem:s22+$0xFFFFFFF0]  }
0x48: {  	v21 =	vimm.f32 $-Inf;
	v22 =	vimm.f32 $+Inf;
	v16 =	vld [tilespmem:s22+$0x0]  }
0x49: {  	v21 =	vmax.f32 v21, v18;
	v22 =	vmin.f32 v22, v18;
	v18 =	vld [tilespmem:s22+$0x10]  }
0x4a: {  	v21 =	vmax.f32 v21, v19;
	v23 =	vmin.f32 v22, v19;
	v19 =	vld [tilespmem:s22+$0x20]  }
0x4b: {  	s23 =	simm.s32 $0x0;
	s24 =	sadd.s32 $0x400, s22;
	v22 =	vmax.f32 v21, v20;
	v21 =	vmin.f32 v23, v20;
	v20 =	vld [tilespmem:s22+$0x30]  }
.LBB2_9:
0x4c: {  	v23 =	vld [tilespmem:s24+$0xFFFFFFC0];
	s23 =	sadd.s32 $0x8, s23;
	v22 =	vmax.f32 v22, v17;
	v17 =	vmin.f32 v21, v17  }
0x4d: {  	v21 =	vld [tilespmem:s24+$0xFFFFFFD0];
	p0 =	slt.u32 s23, $0x130;
	v22 =	vmax.f32 v22, v16;
	v16 =	vmin.f32 v17, v16  }
0x4e: {  	v24 =	vld [tilespmem:s24+$0xFFFFFFE0];
	v22 =	vmax.f32 v22, v18;
	v16 =	vmin.f32 v16, v18  }
.Ltmp7:
0x4f: {  	v17 =	vld [tilespmem:s24+$0xFFFFFFF0];
	v18 =	vmax.f32 v22, v19;
	v19 =	vmin.f32 v16, v19;
	(pc) =	sbr.rel @p0 .LBB2_9-.Ltmp7, $4  }
0x50: {  	v16 =	vld [tilespmem:s24+$0x0];
	v18 =	vmax.f32 v18, v20;
	v19 =	vmin.f32 v19, v20  }
0x51: {  	v20 =	vmax.f32 v18, v23;
	v19 =	vmin.f32 v19, v23;
	v18 =	vld [tilespmem:s24+$0x10]  }
0x52: {  	v20 =	vmax.f32 v20, v21;
	v21 =	vmin.f32 v19, v21;
	v19 =	vld [tilespmem:s24+$0x20]  }
0x53: {  	v22 =	vmax.f32 v20, v24;
	v21 =	vmin.f32 v21, v24;
	v20 =	vld [tilespmem:s24+$0x30];
	s24 =	sadd.s32 $0x400, s24  }
0x54: {  	s23 =	sshll.u32 s21, $0x7  }
0x55: {  	v22 =	vmax.f32 v22, v17;
	v23 =	vld [tilespmem:s23+$0x13800]  }
0x56: {  	v17 =	vmin.f32 v21, v17;
	s21 =	sadd.s32 $0x1, s21;
	v62 =	vmax.f32 v22, v16;
	v63 =	vld [tilespmem:s23+$0x14000]  }
0x57: {  	v16 =	vmin.f32 v17, v16;
	p0 =	sne.s32 s21, $0x8;
	v17 =	vmax.f32 v62, v18  }
.Ltmp8:
0x58: {  	v16 =	vmin.f32 v16, v18;
	v17 =	vmax.f32 v17, v19;
	(pc) =	sbr.rel @p0 .LBB2_8-.Ltmp8, $4  }
0x59: {  	v16 =	vmin.f32 v16, v19;
	v17 =	vmax.f32 v17, v20  }
0x5a: {  	v16 =	vmin.f32 v16, v20;
	v17 =	vmax.f32 v17, v23  }
0x5b: {  	v16 =	vmin.f32 v16, v63;
	[tilespmem:s23+$0x13800] =	vst v17  }
0x5c: {  	s22 =	sadd.s32 $0x80, s22;
	[tilespmem:s23+$0x14000] =	vst v16  }
0x5d: {  	_ =	swait.ge [sflag:s10], $0x9C00  }
0x5e: {  	[sflag:s10] =	ssyncset.done $0x0  }
0x5f: {  	s21 =	simm.s32 $0x0;
	s22 =	simm.s32 $0x40;
	[sflag:s10] =	ssyncadd.s32 $0xFFFF6400  }
.LBB2_12:
0x60: {  	v18 =	vld [tilespmem:s22+$0xFFFFFFC0]  }
0x61: {  	v19 =	vld [tilespmem:s22+$0xFFFFFFD0]  }
0x62: {  	v20 =	vld [tilespmem:s22+$0xFFFFFFE0]  }
0x63: {  	v16 =	vld [tilespmem:s22+$0xFFFFFFF0]  }
0x64: {  	v21 =	vimm.f32 $-Inf;
	v22 =	vimm.f32 $+Inf;
	v17 =	vld [tilespmem:s22+$0x0]  }
0x65: {  	v21 =	vmax.f32 v21, v18;
	v22 =	vmin.f32 v22, v18;
	v18 =	vld [tilespmem:s22+$0x10]  }
0x66: {  	v21 =	vmax.f32 v21, v19;
	v22 =	vmin.f32 v22, v19;
	v19 =	vld [tilespmem:s22+$0x20]  }
0x67: {  	s23 =	simm.s32 $0x0;
	s24 =	sadd.s32 $0x400, s22;
	v21 =	vmax.f32 v21, v20;
	v22 =	vmin.f32 v22, v20;
	v20 =	vld [tilespmem:s22+$0x30]  }
.LBB2_13:
0x68: {  	v23 =	vld [tilespmem:s24+$0xFFFFFFC0];
	s23 =	sadd.s32 $0x8, s23;
	v21 =	vmax.f32 v21, v16;
	v16 =	vmin.f32 v22, v16  }
0x69: {  	v22 =	vld [tilespmem:s24+$0xFFFFFFD0];
	p0 =	slt.u32 s23, $0x130;
	v21 =	vmax.f32 v21, v17;
	v16 =	vmin.f32 v16, v17  }
0x6a: {  	v24 =	vld [tilespmem:s24+$0xFFFFFFE0];
	v17 =	vmax.f32 v21, v18;
	v18 =	vmin.f32 v16, v18  }
.Ltmp9:
0x6b: {  	v16 =	vld [tilespmem:s24+$0xFFFFFFF0];
	v21 =	vmax.f32 v17, v19;
	v18 =	vmin.f32 v18, v19;
	(pc) =	sbr.rel @p0 .LBB2_13-.Ltmp9, $4  }
0x6c: {  	v17 =	vld [tilespmem:s24+$0x0];
	v19 =	vmax.f32 v21, v20;
	v18 =	vmin.f32 v18, v20  }
0x6d: {  	v19 =	vmax.f32 v19, v23;
	v20 =	vmin.f32 v18, v23;
	v18 =	vld [tilespmem:s24+$0x10]  }
0x6e: {  	v21 =	vmax.f32 v19, v22;
	v20 =	vmin.f32 v20, v22;
	v19 =	vld [tilespmem:s24+$0x20]  }
0x6f: {  	v21 =	vmax.f32 v21, v24;
	v22 =	vmin.f32 v20, v24;
	v20 =	vld [tilespmem:s24+$0x30];
	s24 =	sadd.s32 $0x400, s24  }
0x70: {  	v21 =	vmax.f32 v21, v16;
	s23 =	sshll.u32 s21, $0x7;
	s21 =	sadd.s32 $0x1, s21  }
0x71: {  	v16 =	vmin.f32 v22, v16;
	v21 =	vmax.f32 v21, v17;
	p0 =	sne.s32 s21, $0x8  }
.Ltmp10:
0x72: {  	v16 =	vmin.f32 v16, v17;
	v17 =	vmax.f32 v21, v18;
	(pc) =	sbr.rel @p0 .LBB2_12-.Ltmp10, $4  }
0x73: {  	v16 =	vmin.f32 v16, v18;
	v17 =	vmax.f32 v17, v19  }
0x74: {  	v16 =	vmin.f32 v16, v19;
	v17 =	vmax.f32 v17, v20  }
0x75: {  	v16 =	vmin.f32 v16, v20;
	[tilespmem:s23+$0x13C00] =	vst v17  }
0x76: {  	s22 =	sadd.s32 $0x80, s22;
	[tilespmem:s23+$0x14400] =	vst v16  }
0x77: {  	_ =	swait.ge [sflag:s11], $0x9C00  }
0x78: {  	[sflag:s11] =	ssyncset.done $0x0  }
0x79: {  	s21 =	simm.s32 $0x0;
	s22 =	simm.s32 $0x9C40;
	[sflag:s11] =	ssyncadd.s32 $0xFFFF6400  }
.LBB2_16:
0x7a: {  	v18 =	vld [tilespmem:s22+$0xFFFFFFC0]  }
0x7b: {  	v19 =	vld [tilespmem:s22+$0xFFFFFFD0]  }
0x7c: {  	v20 =	vld [tilespmem:s22+$0xFFFFFFE0]  }
0x7d: {  	v17 =	vld [tilespmem:s22+$0xFFFFFFF0]  }
0x7e: {  	v21 =	vimm.f32 $-Inf;
	v22 =	vimm.f32 $+Inf;
	v16 =	vld [tilespmem:s22+$0x0]  }
0x7f: {  	v21 =	vmax.f32 v21, v18;
	v22 =	vmin.f32 v22, v18;
	v18 =	vld [tilespmem:s22+$0x10]  }
0x80: {  	v21 =	vmax.f32 v21, v19;
	v23 =	vmin.f32 v22, v19;
	v19 =	vld [tilespmem:s22+$0x20]  }
0x81: {  	s23 =	simm.s32 $0x0;
	s24 =	sadd.s32 $0x400, s22;
	v22 =	vmax.f32 v21, v20;
	v21 =	vmin.f32 v23, v20;
	v20 =	vld [tilespmem:s22+$0x30]  }
.LBB2_17:
0x82: {  	v23 =	vld [tilespmem:s24+$0xFFFFFFC0];
	s23 =	sadd.s32 $0x8, s23;
	v22 =	vmax.f32 v22, v17;
	v17 =	vmin.f32 v21, v17  }
0x83: {  	v21 =	vld [tilespmem:s24+$0xFFFFFFD0];
	p0 =	slt.u32 s23, $0x130;
	v22 =	vmax.f32 v22, v16;
	v16 =	vmin.f32 v17, v16  }
0x84: {  	v24 =	vld [tilespmem:s24+$0xFFFFFFE0];
	v22 =	vmax.f32 v22, v18;
	v16 =	vmin.f32 v16, v18  }
.Ltmp11:
0x85: {  	v17 =	vld [tilespmem:s24+$0xFFFFFFF0];
	v18 =	vmax.f32 v22, v19;
	v19 =	vmin.f32 v16, v19;
	(pc) =	sbr.rel @p0 .LBB2_17-.Ltmp11, $4  }
0x86: {  	v16 =	vld [tilespmem:s24+$0x0];
	v18 =	vmax.f32 v18, v20;
	v19 =	vmin.f32 v19, v20  }
0x87: {  	v20 =	vmax.f32 v18, v23;
	v19 =	vmin.f32 v19, v23;
	v18 =	vld [tilespmem:s24+$0x10]  }
0x88: {  	v20 =	vmax.f32 v20, v21;
	v21 =	vmin.f32 v19, v21;
	v19 =	vld [tilespmem:s24+$0x20]  }
0x89: {  	v22 =	vmax.f32 v20, v24;
	v21 =	vmin.f32 v21, v24;
	v20 =	vld [tilespmem:s24+$0x30];
	s24 =	sadd.s32 $0x400, s24  }
0x8a: {  	s23 =	sshll.u32 s21, $0x7  }
0x8b: {  	v22 =	vmax.f32 v22, v17;
	v23 =	vld [tilespmem:s23+$0x13C00]  }
0x8c: {  	v17 =	vmin.f32 v21, v17;
	s21 =	sadd.s32 $0x1, s21;
	v62 =	vmax.f32 v22, v16;
	v63 =	vld [tilespmem:s23+$0x14400]  }
0x8d: {  	v16 =	vmin.f32 v17, v16;
	p0 =	sne.s32 s21, $0x8;
	v17 =	vmax.f32 v62, v18  }
.Ltmp12:
0x8e: {  	v16 =	vmin.f32 v16, v18;
	v17 =	vmax.f32 v17, v19;
	(pc) =	sbr.rel @p0 .LBB2_16-.Ltmp12, $4  }
0x8f: {  	v16 =	vmin.f32 v16, v19;
	v17 =	vmax.f32 v17, v20  }
0x90: {  	v16 =	vmin.f32 v16, v20;
	v17 =	vmax.f32 v17, v23  }
0x91: {  	v16 =	vmin.f32 v16, v63;
	[tilespmem:s23+$0x13C00] =	vst v17  }
0x92: {  	s22 =	sadd.s32 $0x80, s22;
	[tilespmem:s23+$0x14400] =	vst v16  }
0x93: {  	_ =	sdelay $0x3  }
0x94: {  	v16 =	vld.idx.msk [tilespmem:v0+s12+$0x0], $0xffff  }
0x95: {  	v17 =	vld.idx.msk [tilespmem:v0+s13+$0x0], $0xffff  }
0x96: {  	v18 =	vld.idx.msk [tilespmem:v1+s12+$0x0], $0xffff  }
0x97: {  	v19 =	vld.idx.msk [tilespmem:v1+s13+$0x0], $0xffff  }
0x98: {  	v20 =	vld.idx.msk [tilespmem:v2+s12+$0x0], $0xffff  }
0x99: {  	v21 =	vld.idx.msk [tilespmem:v2+s13+$0x0], $0xffff  }
0x9a: {  	v22 =	vld.idx.msk [tilespmem:v3+s12+$0x0], $0xffff  }
0x9b: {  	v23 =	vld.idx.msk [tilespmem:v3+s13+$0x0], $0xffff  }
0x9c: {  	v24 =	vld.idx.msk [tilespmem:v4+s12+$0x0], $0xffff  }
0x9d: {  	v25 =	vld.idx.msk [tilespmem:v4+s13+$0x0], $0xffff  }
0x9e: {  	v26 =	vld.idx.msk [tilespmem:v5+s12+$0x0], $0xffff  }
0x9f: {  	v27 =	vld.idx.msk [tilespmem:v5+s13+$0x0], $0xffff  }
0xa0: {  	v28 =	vld.idx.msk [tilespmem:v6+s12+$0x0], $0xffff  }
0xa1: {  	v29 =	vld.idx.msk [tilespmem:v6+s13+$0x0], $0xffff  }
0xa2: {  	v30 =	vld.idx.msk [tilespmem:v7+s12+$0x0], $0xffff  }
0xa3: {  	v31 =	vld.idx.msk [tilespmem:v7+s13+$0x0], $0xffff  }
0xa4: {  	v32 =	vld.idx.msk [tilespmem:v8+s12+$0x0], $0xffff  }
0xa5: {  	v33 =	vld.idx.msk [tilespmem:v8+s13+$0x0], $0xffff  }
0xa6: {  	v34 =	vld.idx.msk [tilespmem:v9+s12+$0x0], $0xffff  }
0xa7: {  	v35 =	vld.idx.msk [tilespmem:v9+s13+$0x0], $0xffff  }
0xa8: {  	v36 =	vld.idx.msk [tilespmem:v10+s12+$0x0], $0xffff  }
0xa9: {  	v53 =	vld.idx.msk [tilespmem:v10+s13+$0x0], $0xffff;
	v16 =	vmax.f32 v16, v18  }
0xaa: {  	v54 =	vld.idx.msk [tilespmem:v11+s12+$0x0], $0xffff;
	v17 =	vmin.f32 v17, v19;
	v16 =	vmax.f32 v16, v20  }
0xab: {  	v55 =	vld.idx.msk [tilespmem:v11+s13+$0x0], $0xffff;
	v17 =	vmin.f32 v17, v21;
	v16 =	vmax.f32 v16, v22  }
0xac: {  	v56 =	vld.idx.msk [tilespmem:v12+s12+$0x0], $0xffff;
	v17 =	vmin.f32 v17, v23;
	v16 =	vmax.f32 v16, v24  }
0xad: {  	v57 =	vld.idx.msk [tilespmem:v12+s13+$0x0], $0xffff;
	v17 =	vmin.f32 v17, v25;
	v16 =	vmax.f32 v16, v26  }
0xae: {  	v58 =	vld.idx.msk [tilespmem:v13+s12+$0x0], $0xffff;
	v17 =	vmin.f32 v17, v27;
	v16 =	vmax.f32 v16, v28  }
0xaf: {  	v59 =	vld.idx.msk [tilespmem:v13+s13+$0x0], $0xffff;
	v17 =	vmin.f32 v17, v29;
	v16 =	vmax.f32 v16, v30  }
0xb0: {  	v60 =	vld.idx.msk [tilespmem:v14+s12+$0x0], $0xffff;
	v17 =	vmin.f32 v17, v31;
	v16 =	vmax.f32 v16, v32  }
0xb1: {  	v61 =	vld.idx.msk [tilespmem:v14+s13+$0x0], $0xffff;
	v17 =	vmin.f32 v17, v33;
	v16 =	vmax.f32 v16, v34  }
0xb2: {  	v62 =	vld.idx.msk [tilespmem:v15+s12+$0x0], $0xffff;
	v17 =	vmin.f32 v17, v35;
	v16 =	vmax.f32 v16, v36  }
0xb3: {  	v63 =	vld.idx.msk [tilespmem:v15+s13+$0x0], $0xffff;
	v17 =	vmin.f32 v17, v53;
	v16 =	vmax.f32 v16, v54  }
0xb4: {  	v17 =	vmin.f32 v17, v55;
	v16 =	vmax.f32 v16, v56  }
0xb5: {  	v17 =	vmin.f32 v17, v57;
	v16 =	vmax.f32 v16, v58  }
0xb6: {  	v17 =	vmin.f32 v17, v59;
	v16 =	vmax.f32 v16, v60  }
0xb7: {  	s20 =	sor.u32 s6, s20;
	v17 =	vmin.f32 v17, v61;
	v16 =	vmax.f32 v16, v62  }
0xb8: {  	s20 =	sshrl.u32 s20, $0x3;
	v17 =	vmin.f32 v17, v63;
	[tilespmem:$0x14800] =	vst v16  }
0xb9: {  	s21 =	sadd.s32 s4, s20;
	[tilespmem:$0x14880] =	vst v17  }
0xba: {  	[hbm4b:s21+s2] =	stream.linear.scatter [tilespmem:s14], [sflag:$0x4], $0x10, $0x38;
	[tilespmem:$0x14900] =	vst v63  }
0xbb: {  	_ =	swait.ge [sflag:s15], $0x10  }
0xbc: {  	[sflag:s15] =	ssyncset.done $0x0  }
.Ltmp13:
0xbd: {  	s20 =	sadd.s32 s5, s20;
	[sflag:s15] =	ssyncadd.s32 $0xFFFFFFF0;
	(pc) =	sbr.rel .LBB2_20-.Ltmp13, $4  }
0xbe: {  	[hbm4b:s20+s2] =	stream.linear.scatter [tilespmem:s16], [sflag:$0x3], $0x10, $0x38;
	[tilespmem:$0x14900] =	vst v63  }
0xbf: {  	_ =	swait.ge [sflag:s17], $0x10  }
0xc0: {  	[sflag:s17] =	ssyncset.done $0x0  }
0xc1: {  	[sflag:s17] =	ssyncadd.s32 $0xFFFFFFF0  }
.LBB2_22:
0xc2: {  	_ =	sfence.sel $0x180000  }
0xc3: {  	[bflag:$0x0] =	sbarrier.arrive $0xFFFF  }
0xc4: {  	p0 =	sne.s32 s3, $0x0;
	_ =	strace $0x90000047  }
0xc5: {  	s0 =	sadd.s32 @!p0 $0x100000, s0;
	[bflag:$0x2] =	sbarrier.arrive $0xFFFF  }
0xc6: {  	[sflag:s0] =	ssyncadd.tile.s32 @!p0 $0x1;
	_ =	shalt  }
.Lfunc_end2:
_tile_overlayer_lowered:
.L_overlay_start_2:
0xc7: {  	(tag) =	ssettag $0x2  }
0xc8: {  	s0 =	rddreg [dreg:$0x0];
	s2 =	stileid.u32  }
0xc9: {  	s1 =	rddreg [dreg:$0x1];
	p0 =	sne.s32 s2, $0x0  }
0xca: {  	s3 =	rddreg [dreg:$0x2];
	[bflag:$0x3] =	sbarrier.arrive $0xFFFF;
	s2 =	simm.s32 @!p0 $0x1C03  }
0xcb: {  	[timem:s3], [sflag:s2] =	dma.local @!p0 [hbm:s0], s1  }
0xcc: {  	s0 =	simm.s32 @!p0 $0x3  }
0xcd: {  	_ =	swait.ge @!p0 [sflag:s0], s1  }
0xce: {  	s1 =	ssub.s32 @!p0 $0x0, s1;
	[sflag:s0] =	ssyncset.done @!p0 $0x0  }
0xcf: {  	[sflag:s0] =	ssyncadd.s32 @!p0 s1  }
0xd0: {  	[bflag:$0x3] =	sbarrier.arrive $0xFFFF  }
0xd1: {  	_ =	shalt  }

</sc_bundles>
